<compile_context>
chip_gen: v7x
topology: tpu7x:2x2x1
jax: 0.10.2.dev20260603
libtpu: 0.0.44.dev20260713+nightly
codegen_flags: <defaults>
</compile_context>

<pallas_src>
import functools

import jax
import jax.numpy as jnp
from jax import lax
from jax.experimental import pallas as pl
from jax.experimental.pallas import tpu as pltpu

try:
    from jax.experimental.pallas import tpu_sc as plsc
    _HAS_SC = True
except ImportError:
    plsc = None
    _HAS_SC = False

_CUTOFF = 5.0
_NUM_BASIS = 16
_EMBED_DIM = 8
_NW = 32


_CHUNK = 128


@functools.lru_cache(maxsize=None)
def _make_node_gather(b_pad: int, d: int):
    b_per_w = b_pad // _NW
    n_chunks = b_per_w // _CHUNK
    mesh = plsc.VectorSubcoreMesh(core_axis_name="c", subcore_axis_name="s")

    @functools.partial(
        pl.kernel,
        mesh=mesh,
        out_type=jax.ShapeDtypeStruct((b_pad, 128), jnp.float32),
        scratch_types=[
            pltpu.VMEM((n_chunks, _CHUNK), jnp.int32),
            pltpu.VMEM((3, _CHUNK, 128), jnp.float32),
            pltpu.SemaphoreType.DMA,
            pltpu.SemaphoreType.DMA,
            pltpu.SemaphoreType.DMA,
            pltpu.SemaphoreType.DMA,
            pltpu.SemaphoreType.DMA,
            pltpu.SemaphoreType.DMA,
        ],
    )
    def gather_kernel(idx_hbm, table_hbm, out_hbm, idx_v, rows_v,
                      g0, g1, g2, w0, w1, w2):
        wid = lax.axis_index("s") * 2 + lax.axis_index("c")
        pltpu.sync_copy(idx_hbm.at[wid], idx_v)
        gsems = (g0, g1, g2)
        wsems = (w0, w1, w2)

        def gather(c, b):
            pltpu.async_copy(table_hbm.at[idx_v.at[c]], rows_v.at[b], gsems[b])

        gather(0, 0)
        gather(1, 1)

        def step(i, carry):
            for b0 in range(3):
                c = i * 3 + b0
                b = b0

                @pl.when(c < n_chunks)
                def _():
                    pltpu.make_async_copy(
                        table_hbm.at[idx_v.at[c]], rows_v.at[b], gsems[b]
                    ).wait()
                    dst = wid * b_per_w + c * _CHUNK
                    pltpu.async_copy(
                        rows_v.at[b],
                        out_hbm.at[pl.ds(dst, _CHUNK)],
                        wsems[b],
                    )

                    nb = (b0 + 2) % 3

                    @pl.when(c + 2 < n_chunks)
                    def _():
                        @pl.when(c >= 1)
                        def _():
                            dst2 = wid * b_per_w + (c - 1) * _CHUNK
                            pltpu.make_async_copy(
                                rows_v.at[nb],
                                out_hbm.at[pl.ds(dst2, _CHUNK)],
                                wsems[nb],
                            ).wait()

                        gather(c + 2, nb)

            return carry

        lax.fori_loop(0, (n_chunks + 2) // 3, step, 0)

        for tail in (n_chunks - 3, n_chunks - 2, n_chunks - 1):
            b = tail % 3
            dst = wid * b_per_w + tail * _CHUNK
            pltpu.make_async_copy(
                rows_v.at[b], out_hbm.at[pl.ds(dst, _CHUNK)], wsems[b]
            ).wait()

    return gather_kernel


def _edge_body(a_ref, o_ref):
    ax = a_ref[0]
    ay = a_ref[1]
    az = a_ref[2]
    r2 = ax * ax + ay * ay + az * az
    r = jnp.sqrt(r2)
    t = r * (jnp.pi / _CUTOFF)
    w = jnp.sqrt(2.0 / _CUTOFF) / jnp.maximum(r, 1e-9)
    s1 = jnp.sin(t)
    d = 2.0 * jnp.cos(t)
    u_prev = w * s1
    u_cur = d * u_prev
    us = [u_prev, u_cur]
    for _ in range(_NUM_BASIS - 2):
        u_next = d * u_cur - u_prev
        u_prev, u_cur = u_cur, u_next
        us.append(u_cur)
    o_ref[...] = jnp.stack(us, axis=0)


def _edge_expand(edge_attr_t, n_edges: int, rb: int = 1000, interpret: bool = False):
    rows = n_edges // 128
    grid = rows // rb
    return pl.pallas_call(
        _edge_body,
        grid=(grid,),
        in_specs=[pl.BlockSpec((3, rb, 128), lambda i: (0, i, 0))],
        out_specs=pl.BlockSpec((_NUM_BASIS, rb, 128), lambda i: (0, i, 0)),
        out_shape=jax.ShapeDtypeStruct((_NUM_BASIS, rows, 128), jnp.float32),
        interpret=interpret,
    )(edge_attr_t)


def kernel(x, edge_attr, W_x, W_z):
    n_nodes = x.shape[0]
    d = 2 * _EMBED_DIM
    table = jnp.concatenate(
        [W_x, W_z, jnp.zeros((W_x.shape[0], 128 - d), jnp.float32)], axis=1
    )

    quantum = _NW * _CHUNK
    b_pad = ((n_nodes + quantum - 1) // quantum) * quantum
    idx = jnp.zeros((b_pad,), jnp.int32).at[:n_nodes].set(x.astype(jnp.int32))
    idx = idx.reshape(_NW, b_pad // (_NW * _CHUNK), _CHUNK)
    out_rows = _make_node_gather(b_pad, d)(idx, table)
    h_node_x = out_rows[:n_nodes, :_EMBED_DIM]
    h_node_z = out_rows[:n_nodes, _EMBED_DIM:d]

    n_edges = edge_attr.shape[0]
    ea_t = jnp.transpose(edge_attr).reshape(3, n_edges // 128, 128)
    out3 = _edge_expand(ea_t, n_edges)
    h_edge = out3.transpose(1, 2, 0).reshape(n_edges, _NUM_BASIS)
    return (h_node_x, h_node_z, h_edge)

# --- scband reference (transcript-rebuilt; emitter-appended) ---
"""Pipeline reference for scband-initial-embedding-42949673108 (READ-ONLY COPY).

The authoritative reference and input builder live on the scoring server;
editing this copy changes nothing except your own understanding.
"""

import jax, jax.numpy as jnp
import numpy as np

NUM_SPECIES = 100
CUTOFF = 5.0
NUM_BASIS = 16
EMBED_DIM = 8
N_NODES = 100000
N_EDGES = 6400000


def bessel(r, start, end, num_basis):
    # DimeNet-style zeroth-order spherical Bessel radial basis:
    # f_n(r) = sqrt(2/c) * sin(n*pi*(r-start)/c) / (r-start), c = end-start
    c = end - start
    n = jnp.arange(1, num_basis + 1, dtype=jnp.float32)
    rr = (r - start)[..., None]
    rr_safe = jnp.maximum(rr, 1e-9)
    return jnp.sqrt(2.0 / c) * jnp.sin(n * jnp.pi * rr / c) / rr_safe


def setup_inputs(seed: int = 0) -> dict:
    key = jax.random.key(seed)
    k1, k2, k3, k4 = jax.random.split(key, 4)
    x = jax.random.randint(k1, (N_NODES,), 0, NUM_SPECIES)
    edge_attr = jax.random.normal(k2, (N_EDGES, 3), dtype=jnp.float32)
    W_x = jax.random.normal(k3, (NUM_SPECIES, EMBED_DIM), dtype=jnp.float32) * 0.02
    W_z = jax.random.normal(k4, (NUM_SPECIES, EMBED_DIM), dtype=jnp.float32) * 0.02
    return {"x": x, "edge_attr": edge_attr, "W_x": W_x, "W_z": W_z}


def reference(x, edge_attr, W_x, W_z):
    # data.h_node_x = self.embed_node_x(data.x)
    h_node_x = jnp.take(W_x, x, axis=0)
    # data.h_node_z = self.embed_node_z(data.x)
    h_node_z = jnp.take(W_z, x, axis=0)
    # data.h_edge = self.embed_edge(data.edge_attr.norm(dim=-1))
    r = jnp.linalg.norm(edge_attr, axis=-1)
    h_edge = bessel(r, 0.0, CUTOFF, NUM_BASIS)
    return (h_node_x, h_node_z, h_edge)

if __name__ == "__main__":
    import jax
    _d = setup_inputs()
    print(jax.jit(kernel)(*tuple(_d.values())))

</pallas_src>

<mosaic_0001>
#map = affine_map<(d0, d1) -> (0, 0, 0)>
#map1 = affine_map<(d0, d1) -> (0, 0)>
module attributes {stable_mosaic.version = 14 : i64} {
  func.func @gather_kernel(%arg0: i32, %arg1: i32, %arg2: memref<32x25x128xi32, #tpu.memory_space<hbm>>, %arg3: memref<100x128xf32, #tpu.memory_space<hbm>>, %arg4: memref<102400x128xf32, #tpu.memory_space<hbm>>, %arg5: memref<25x128xi32, #tpu.memory_space<vmem>>, %arg6: memref<3x128x128xf32, #tpu.memory_space<vmem>>, %arg7: memref<!tpu.dma_semaphore, #tpu.memory_space<semaphore_mem>>, %arg8: memref<!tpu.dma_semaphore, #tpu.memory_space<semaphore_mem>>, %arg9: memref<!tpu.dma_semaphore, #tpu.memory_space<semaphore_mem>>, %arg10: memref<!tpu.dma_semaphore, #tpu.memory_space<semaphore_mem>>, %arg11: memref<!tpu.dma_semaphore, #tpu.memory_space<semaphore_mem>>, %arg12: memref<!tpu.dma_semaphore, #tpu.memory_space<semaphore_mem>>) attributes {dimension_semantics = [#tpu.dimension_semantics<core_parallel>, #tpu.dimension_semantics<subcore_parallel>], iteration_bounds = array<i64: 2, 16>, scalar_prefetch = 0 : i64, scratch_operands = 8 : i64, tpu.core_type = #tpu.core_type<sc_vector_subcore>, window_params = [{transform_indices = #map}, {transform_indices = #map1}, {transform_indices = #map1}]} {
    %mul3A = arith.constant 2 : i32
    %mul3A_0 = arith.muli %arg1, %mul3A : i32
    %add3A = arith.addi %mul3A_0, %arg0 : i32
    "tpu.region"() ({
      %run_scoped3A = tpu.sem_alloc : memref<!tpu.dma_semaphore, #tpu.memory_space<semaphore_mem>>
      %dma_start3A_79 = arith.constant 0 : i32
      %dma_start3A_80 = arith.constant 0 : i32
      %dma_start3A_81 = tpu.memref_slice %arg2[%add3A, %dma_start3A_79, %dma_start3A_80] : memref<32x25x128xi32, #tpu.memory_space<hbm>> -> memref<1x25x128xi32, #tpu.memory_space<hbm>>
      %dma_start3A_82 = tpu.memref_squeeze %dma_start3A_81 : memref<1x25x128xi32, #tpu.memory_space<hbm>> -> memref<25x128xi32, #tpu.memory_space<hbm>>
      %dma_start3A_83 = arith.constant 0 : i32
      %dma_start3A_84 = arith.constant 0 : i32
      %dma_start3A_85 = tpu.memref_slice %arg2[%add3A, %dma_start3A_83, %dma_start3A_84] : memref<32x25x128xi32, #tpu.memory_space<hbm>> -> memref<1x25x128xi32, #tpu.memory_space<hbm>>
      %dma_start3A_86 = tpu.memref_squeeze %dma_start3A_85 : memref<1x25x128xi32, #tpu.memory_space<hbm>> -> memref<25x128xi32, #tpu.memory_space<hbm>>
      tpu.enqueue_dma source(%dma_start3A_86 : memref<25x128xi32, #tpu.memory_space<hbm>>) target(%arg5 : memref<25x128xi32, #tpu.memory_space<vmem>>) target_semaphore(%run_scoped3A : memref<!tpu.dma_semaphore, #tpu.memory_space<semaphore_mem>>)
      %dma_wait3A_87 = arith.constant 0 : i32
      %dma_wait3A_88 = arith.constant 0 : i32
      %dma_wait3A_89 = tpu.memref_slice %arg2[%add3A, %dma_wait3A_87, %dma_wait3A_88] : memref<32x25x128xi32, #tpu.memory_space<hbm>> -> memref<1x25x128xi32, #tpu.memory_space<hbm>>
      %dma_wait3A_90 = tpu.memref_squeeze %dma_wait3A_89 : memref<1x25x128xi32, #tpu.memory_space<hbm>> -> memref<25x128xi32, #tpu.memory_space<hbm>>
      %dma_wait3A_91 = arith.constant 0 : i32
      %dma_wait3A_92 = arith.constant 0 : i32
      %dma_wait3A_93 = tpu.memref_slice %arg2[%add3A, %dma_wait3A_91, %dma_wait3A_92] : memref<32x25x128xi32, #tpu.memory_space<hbm>> -> memref<1x25x128xi32, #tpu.memory_space<hbm>>
      %dma_wait3A_94 = tpu.memref_squeeze %dma_wait3A_93 : memref<1x25x128xi32, #tpu.memory_space<hbm>> -> memref<25x128xi32, #tpu.memory_space<hbm>>
      tpu.wait_dma2 semaphore(%run_scoped3A : memref<!tpu.dma_semaphore, #tpu.memory_space<semaphore_mem>>) src(%dma_wait3A_94 : memref<25x128xi32, #tpu.memory_space<hbm>>) dst(%arg5 : memref<25x128xi32, #tpu.memory_space<vmem>>)
      tpu.yield
    }) : () -> ()
    %dma_start3A = arith.constant 0 : i32
    %dma_start3A_1 = arith.constant 0 : i32
    %dma_start3A_2 = arith.constant 0 : i32
    %dma_start3A_3 = arith.constant 0 : i32
    %dma_start3A_4 = tpu.memref_slice %arg6[%dma_start3A_1, %dma_start3A_2, %dma_start3A_3] : memref<3x128x128xf32, #tpu.memory_space<vmem>> -> memref<1x128x128xf32, #tpu.memory_space<vmem>>
    %dma_start3A_5 = tpu.memref_squeeze %dma_start3A_4 : memref<1x128x128xf32, #tpu.memory_space<vmem>> -> memref<128x128xf32, #tpu.memory_space<vmem>>
    %dma_start3A_6 = arith.constant 0 : i32
    %dma_start3A_7 = tpu.memref_slice %arg5[%dma_start3A, %dma_start3A_6] : memref<25x128xi32, #tpu.memory_space<vmem>> -> memref<1x128xi32, #tpu.memory_space<vmem>>
    %dma_start3A_8 = tpu.memref_squeeze %dma_start3A_7 : memref<1x128xi32, #tpu.memory_space<vmem>> -> memref<128xi32, #tpu.memory_space<vmem>>
    %dma_start3A_9 = arith.constant 0 : i32
    %dma_start3A_10 = arith.constant 0 : i32
    %dma_start3A_11 = tpu.memref_slice %arg3[%dma_start3A_9, %dma_start3A_10] : memref<100x128xf32, #tpu.memory_space<hbm>> -> memref<100x128xf32, #tpu.memory_space<hbm>>
    tpu.enqueue_indirect_dma source(%dma_start3A_11 : memref<100x128xf32, #tpu.memory_space<hbm>>) target(%dma_start3A_5 : memref<128x128xf32, #tpu.memory_space<vmem>>) offsets(%dma_start3A_8 : memref<128xi32, #tpu.memory_space<vmem>>) semaphore(%arg7 : memref<!tpu.dma_semaphore, #tpu.memory_space<semaphore_mem>>)
    %dma_start3A_12 = arith.constant 1 : i32
    %dma_start3A_13 = arith.constant 1 : i32
    %dma_start3A_14 = arith.constant 0 : i32
    %dma_start3A_15 = arith.constant 0 : i32
    %dma_start3A_16 = tpu.memref_slice %arg6[%dma_start3A_13, %dma_start3A_14, %dma_start3A_15] : memref<3x128x128xf32, #tpu.memory_space<vmem>> -> memref<1x128x128xf32, #tpu.memory_space<vmem>>
    %dma_start3A_17 = tpu.memref_squeeze %dma_start3A_16 : memref<1x128x128xf32, #tpu.memory_space<vmem>> -> memref<128x128xf32, #tpu.memory_space<vmem>>
    %dma_start3A_18 = arith.constant 0 : i32
    %dma_start3A_19 = tpu.memref_slice %arg5[%dma_start3A_12, %dma_start3A_18] : memref<25x128xi32, #tpu.memory_space<vmem>> -> memref<1x128xi32, #tpu.memory_space<vmem>>
    %dma_start3A_20 = tpu.memref_squeeze %dma_start3A_19 : memref<1x128xi32, #tpu.memory_space<vmem>> -> memref<128xi32, #tpu.memory_space<vmem>>
    %dma_start3A_21 = arith.constant 0 : i32
    %dma_start3A_22 = arith.constant 0 : i32
    %dma_start3A_23 = tpu.memref_slice %arg3[%dma_start3A_21, %dma_start3A_22] : memref<100x128xf32, #tpu.memory_space<hbm>> -> memref<100x128xf32, #tpu.memory_space<hbm>>
    tpu.enqueue_indirect_dma source(%dma_start3A_23 : memref<100x128xf32, #tpu.memory_space<hbm>>) target(%dma_start3A_17 : memref<128x128xf32, #tpu.memory_space<vmem>>) offsets(%dma_start3A_20 : memref<128xi32, #tpu.memory_space<vmem>>) semaphore(%arg8 : memref<!tpu.dma_semaphore, #tpu.memory_space<semaphore_mem>>)
    %scan3A = arith.constant 0 : i32
    %scan3A_24 = arith.constant 0 : i32
    %scan3A_25 = arith.constant 9 : i32
    %scan3A_26 = arith.addi %scan3A_24, %scan3A_25 : i32
    %scan3A_27 = arith.constant 1 : i32
    scf.for %scan3A_79 = %scan3A_24 to %scan3A_26 step %scan3A_27  : i32 {
      %mul3A_80 = arith.constant 3 : i32
      %mul3A_81 = arith.muli %scan3A_79, %mul3A_80 : i32
      %add3A_82 = arith.constant 0 : i32
      %add3A_83 = arith.addi %mul3A_81, %add3A_82 : i32
      %lt3A = arith.constant 25 : i32
      %lt3A_84 = arith.cmpi slt, %add3A_83, %lt3A : i32
      %convert_element_type3A = arith.extui %lt3A_84 : i1 to i32
      %cond3A = arith.constant 0 : i32
      %cond3A_85 = arith.cmpi ne, %convert_element_type3A, %cond3A : i32
      scf.if %cond3A_85 {
        %dma_wait3A_104 = arith.constant 0 : i32
        %dma_wait3A_105 = arith.constant 0 : i32
        %dma_wait3A_106 = arith.constant 0 : i32
        %dma_wait3A_107 = tpu.memref_slice %arg6[%dma_wait3A_104, %dma_wait3A_105, %dma_wait3A_106] : memref<3x128x128xf32, #tpu.memory_space<vmem>> -> memref<1x128x128xf32, #tpu.memory_space<vmem>>
        %dma_wait3A_108 = tpu.memref_squeeze %dma_wait3A_107 : memref<1x128x128xf32, #tpu.memory_space<vmem>> -> memref<128x128xf32, #tpu.memory_space<vmem>>
        %dma_wait3A_109 = arith.constant 0 : i32
        %dma_wait3A_110 = tpu.memref_slice %arg5[%add3A_83, %dma_wait3A_109] : memref<25x128xi32, #tpu.memory_space<vmem>> -> memref<1x128xi32, #tpu.memory_space<vmem>>
        %dma_wait3A_111 = tpu.memref_squeeze %dma_wait3A_110 : memref<1x128xi32, #tpu.memory_space<vmem>> -> memref<128xi32, #tpu.memory_space<vmem>>
        %dma_wait3A_112 = arith.constant 0 : i32
        %dma_wait3A_113 = arith.constant 0 : i32
        %dma_wait3A_114 = tpu.memref_slice %arg3[%dma_wait3A_112, %dma_wait3A_113] : memref<100x128xf32, #tpu.memory_space<hbm>> -> memref<100x128xf32, #tpu.memory_space<hbm>>
        tpu.wait_indirect_dma semaphore(%arg7 : memref<!tpu.dma_semaphore, #tpu.memory_space<semaphore_mem>>) src(%dma_wait3A_114 : memref<100x128xf32, #tpu.memory_space<hbm>>) dst(%dma_wait3A_108 : memref<128x128xf32, #tpu.memory_space<vmem>>)
        %mul3A_115 = arith.constant 3200 : i32
        %mul3A_116 = arith.muli %add3A, %mul3A_115 : i32
        %mul3A_117 = arith.constant 128 : i32
        %mul3A_118 = arith.muli %add3A_83, %mul3A_117 : i32
        %add3A_119 = arith.addi %mul3A_116, %mul3A_118 : i32
        %dma_start3A_120 = arith.constant 0 : i32
        %dma_start3A_121 = arith.constant 0 : i32
        %dma_start3A_122 = arith.constant 0 : i32
        %dma_start3A_123 = tpu.memref_slice %arg6[%dma_start3A_120, %dma_start3A_121, %dma_start3A_122] : memref<3x128x128xf32, #tpu.memory_space<vmem>> -> memref<1x128x128xf32, #tpu.memory_space<vmem>>
        %dma_start3A_124 = tpu.memref_squeeze %dma_start3A_123 : memref<1x128x128xf32, #tpu.memory_space<vmem>> -> memref<128x128xf32, #tpu.memory_space<vmem>>
        %dma_start3A_125 = arith.constant 0 : i32
        %dma_start3A_126 = tpu.memref_slice %arg4[%add3A_119, %dma_start3A_125] : memref<102400x128xf32, #tpu.memory_space<hbm>> -> memref<128x128xf32, #tpu.memory_space<hbm>>
        %dma_start3A_127 = arith.constant 0 : i32
        %dma_start3A_128 = tpu.memref_slice %arg4[%add3A_119, %dma_start3A_127] : memref<102400x128xf32, #tpu.memory_space<hbm>> -> memref<128x128xf32, #tpu.memory_space<hbm>>
        %dma_start3A_129 = arith.constant 0 : i32
        %dma_start3A_130 = arith.constant 0 : i32
        %dma_start3A_131 = tpu.memref_slice %arg6[%dma_start3A_120, %dma_start3A_129, %dma_start3A_130] : memref<3x128x128xf32, #tpu.memory_space<vmem>> -> memref<1x128x128xf32, #tpu.memory_space<vmem>>
        %dma_start3A_132 = tpu.memref_squeeze %dma_start3A_131 : memref<1x128x128xf32, #tpu.memory_space<vmem>> -> memref<128x128xf32, #tpu.memory_space<vmem>>
        tpu.enqueue_dma source(%dma_start3A_132 : memref<128x128xf32, #tpu.memory_space<vmem>>) target(%dma_start3A_128 : memref<128x128xf32, #tpu.memory_space<hbm>>) target_semaphore(%arg10 : memref<!tpu.dma_semaphore, #tpu.memory_space<semaphore_mem>>)
        %add3A_133 = arith.constant 2 : i32
        %add3A_134 = arith.addi %add3A_83, %add3A_133 : i32
        %lt3A_135 = arith.constant 25 : i32
        %lt3A_136 = arith.cmpi slt, %add3A_134, %lt3A_135 : i32
        %convert_element_type3A_137 = arith.extui %lt3A_136 : i1 to i32
        %cond3A_138 = arith.constant 0 : i32
        %cond3A_139 = arith.cmpi ne, %convert_element_type3A_137, %cond3A_138 : i32
        scf.if %cond3A_139 {
          %ge3A = arith.constant 1 : i32
          %ge3A_140 = arith.cmpi sge, %add3A_83, %ge3A : i32
          %convert_element_type3A_141 = arith.extui %ge3A_140 : i1 to i32
          %cond3A_142 = arith.constant 0 : i32
          %cond3A_143 = arith.cmpi ne, %convert_element_type3A_141, %cond3A_142 : i32
          scf.if %cond3A_143 {
            %mul3A_157 = arith.constant 3200 : i32
            %mul3A_158 = arith.muli %add3A, %mul3A_157 : i32
            %sub3A = arith.constant 1 : i32
            %sub3A_159 = arith.subi %add3A_83, %sub3A : i32
            %mul3A_160 = arith.constant 128 : i32
            %mul3A_161 = arith.muli %sub3A_159, %mul3A_160 : i32
            %add3A_162 = arith.addi %mul3A_158, %mul3A_161 : i32
            %dma_wait3A_163 = arith.constant 2 : i32
            %dma_wait3A_164 = arith.constant 0 : i32
            %dma_wait3A_165 = arith.constant 0 : i32
            %dma_wait3A_166 = tpu.memref_slice %arg6[%dma_wait3A_163, %dma_wait3A_164, %dma_wait3A_165] : memref<3x128x128xf32, #tpu.memory_space<vmem>> -> memref<1x128x128xf32, #tpu.memory_space<vmem>>
            %dma_wait3A_167 = tpu.memref_squeeze %dma_wait3A_166 : memref<1x128x128xf32, #tpu.memory_space<vmem>> -> memref<128x128xf32, #tpu.memory_space<vmem>>
            %dma_wait3A_168 = arith.constant 0 : i32
            %dma_wait3A_169 = tpu.memref_slice %arg4[%add3A_162, %dma_wait3A_168] : memref<102400x128xf32, #tpu.memory_space<hbm>> -> memref<128x128xf32, #tpu.memory_space<hbm>>
            %dma_wait3A_170 = arith.constant 0 : i32
            %dma_wait3A_171 = tpu.memref_slice %arg4[%add3A_162, %dma_wait3A_170] : memref<102400x128xf32, #tpu.memory_space<hbm>> -> memref<128x128xf32, #tpu.memory_space<hbm>>
            %dma_wait3A_172 = arith.constant 0 : i32
            %dma_wait3A_173 = arith.constant 0 : i32
            %dma_wait3A_174 = tpu.memref_slice %arg6[%dma_wait3A_163, %dma_wait3A_172, %dma_wait3A_173] : memref<3x128x128xf32, #tpu.memory_space<vmem>> -> memref<1x128x128xf32, #tpu.memory_space<vmem>>
            %dma_wait3A_175 = tpu.memref_squeeze %dma_wait3A_174 : memref<1x128x128xf32, #tpu.memory_space<vmem>> -> memref<128x128xf32, #tpu.memory_space<vmem>>
            tpu.wait_dma2 semaphore(%arg12 : memref<!tpu.dma_semaphore, #tpu.memory_space<semaphore_mem>>) src(%dma_wait3A_175 : memref<128x128xf32, #tpu.memory_space<vmem>>) dst(%dma_wait3A_171 : memref<128x128xf32, #tpu.memory_space<hbm>>)
          } else {
          }
          %add3A_144 = arith.constant 2 : i32
          %add3A_145 = arith.addi %add3A_83, %add3A_144 : i32
          %dma_start3A_146 = arith.constant 2 : i32
          %dma_start3A_147 = arith.constant 0 : i32
          %dma_start3A_148 = arith.constant 0 : i32
          %dma_start3A_149 = tpu.memref_slice %arg6[%dma_start3A_146, %dma_start3A_147, %dma_start3A_148] : memref<3x128x128xf32, #tpu.memory_space<vmem>> -> memref<1x128x128xf32, #tpu.memory_space<vmem>>
          %dma_start3A_150 = tpu.memref_squeeze %dma_start3A_149 : memref<1x128x128xf32, #tpu.memory_space<vmem>> -> memref<128x128xf32, #tpu.memory_space<vmem>>
          %dma_start3A_151 = arith.constant 0 : i32
          %dma_start3A_152 = tpu.memref_slice %arg5[%add3A_145, %dma_start3A_151] : memref<25x128xi32, #tpu.memory_space<vmem>> -> memref<1x128xi32, #tpu.memory_space<vmem>>
          %dma_start3A_153 = tpu.memref_squeeze %dma_start3A_152 : memref<1x128xi32, #tpu.memory_space<vmem>> -> memref<128xi32, #tpu.memory_space<vmem>>
          %dma_start3A_154 = arith.constant 0 : i32
          %dma_start3A_155 = arith.constant 0 : i32
          %dma_start3A_156 = tpu.memref_slice %arg3[%dma_start3A_154, %dma_start3A_155] : memref<100x128xf32, #tpu.memory_space<hbm>> -> memref<100x128xf32, #tpu.memory_space<hbm>>
          tpu.enqueue_indirect_dma source(%dma_start3A_156 : memref<100x128xf32, #tpu.memory_space<hbm>>) target(%dma_start3A_150 : memref<128x128xf32, #tpu.memory_space<vmem>>) offsets(%dma_start3A_153 : memref<128xi32, #tpu.memory_space<vmem>>) semaphore(%arg9 : memref<!tpu.dma_semaphore, #tpu.memory_space<semaphore_mem>>)
        } else {
        }
      } else {
      }
      %mul3A_86 = arith.constant 3 : i32
      %mul3A_87 = arith.muli %scan3A_79, %mul3A_86 : i32
      %add3A_88 = arith.constant 1 : i32
      %add3A_89 = arith.addi %mul3A_87, %add3A_88 : i32
      %lt3A_90 = arith.constant 25 : i32
      %lt3A_91 = arith.cmpi slt, %add3A_89, %lt3A_90 : i32
      %convert_element_type3A_92 = arith.extui %lt3A_91 : i1 to i32
      %cond3A_93 = arith.constant 0 : i32
      %cond3A_94 = arith.cmpi ne, %convert_element_type3A_92, %cond3A_93 : i32
      scf.if %cond3A_94 {
        %dma_wait3A_104 = arith.constant 1 : i32
        %dma_wait3A_105 = arith.constant 0 : i32
        %dma_wait3A_106 = arith.constant 0 : i32
        %dma_wait3A_107 = tpu.memref_slice %arg6[%dma_wait3A_104, %dma_wait3A_105, %dma_wait3A_106] : memref<3x128x128xf32, #tpu.memory_space<vmem>> -> memref<1x128x128xf32, #tpu.memory_space<vmem>>
        %dma_wait3A_108 = tpu.memref_squeeze %dma_wait3A_107 : memref<1x128x128xf32, #tpu.memory_space<vmem>> -> memref<128x128xf32, #tpu.memory_space<vmem>>
        %dma_wait3A_109 = arith.constant 0 : i32
        %dma_wait3A_110 = tpu.memref_slice %arg5[%add3A_89, %dma_wait3A_109] : memref<25x128xi32, #tpu.memory_space<vmem>> -> memref<1x128xi32, #tpu.memory_space<vmem>>
        %dma_wait3A_111 = tpu.memref_squeeze %dma_wait3A_110 : memref<1x128xi32, #tpu.memory_space<vmem>> -> memref<128xi32, #tpu.memory_space<vmem>>
        %dma_wait3A_112 = arith.constant 0 : i32
        %dma_wait3A_113 = arith.constant 0 : i32
        %dma_wait3A_114 = tpu.memref_slice %arg3[%dma_wait3A_112, %dma_wait3A_113] : memref<100x128xf32, #tpu.memory_space<hbm>> -> memref<100x128xf32, #tpu.memory_space<hbm>>
        tpu.wait_indirect_dma semaphore(%arg8 : memref<!tpu.dma_semaphore, #tpu.memory_space<semaphore_mem>>) src(%dma_wait3A_114 : memref<100x128xf32, #tpu.memory_space<hbm>>) dst(%dma_wait3A_108 : memref<128x128xf32, #tpu.memory_space<vmem>>)
        %mul3A_115 = arith.constant 3200 : i32
        %mul3A_116 = arith.muli %add3A, %mul3A_115 : i32
        %mul3A_117 = arith.constant 128 : i32
        %mul3A_118 = arith.muli %add3A_89, %mul3A_117 : i32
        %add3A_119 = arith.addi %mul3A_116, %mul3A_118 : i32
        %dma_start3A_120 = arith.constant 1 : i32
        %dma_start3A_121 = arith.constant 0 : i32
        %dma_start3A_122 = arith.constant 0 : i32
        %dma_start3A_123 = tpu.memref_slice %arg6[%dma_start3A_120, %dma_start3A_121, %dma_start3A_122] : memref<3x128x128xf32, #tpu.memory_space<vmem>> -> memref<1x128x128xf32, #tpu.memory_space<vmem>>
        %dma_start3A_124 = tpu.memref_squeeze %dma_start3A_123 : memref<1x128x128xf32, #tpu.memory_space<vmem>> -> memref<128x128xf32, #tpu.memory_space<vmem>>
        %dma_start3A_125 = arith.constant 0 : i32
        %dma_start3A_126 = tpu.memref_slice %arg4[%add3A_119, %dma_start3A_125] : memref<102400x128xf32, #tpu.memory_space<hbm>> -> memref<128x128xf32, #tpu.memory_space<hbm>>
        %dma_start3A_127 = arith.constant 0 : i32
        %dma_start3A_128 = tpu.memref_slice %arg4[%add3A_119, %dma_start3A_127] : memref<102400x128xf32, #tpu.memory_space<hbm>> -> memref<128x128xf32, #tpu.memory_space<hbm>>
        %dma_start3A_129 = arith.constant 0 : i32
        %dma_start3A_130 = arith.constant 0 : i32
        %dma_start3A_131 = tpu.memref_slice %arg6[%dma_start3A_120, %dma_start3A_129, %dma_start3A_130] : memref<3x128x128xf32, #tpu.memory_space<vmem>> -> memref<1x128x128xf32, #tpu.memory_space<vmem>>
        %dma_start3A_132 = tpu.memref_squeeze %dma_start3A_131 : memref<1x128x128xf32, #tpu.memory_space<vmem>> -> memref<128x128xf32, #tpu.memory_space<vmem>>
        tpu.enqueue_dma source(%dma_start3A_132 : memref<128x128xf32, #tpu.memory_space<vmem>>) target(%dma_start3A_128 : memref<128x128xf32, #tpu.memory_space<hbm>>) target_semaphore(%arg11 : memref<!tpu.dma_semaphore, #tpu.memory_space<semaphore_mem>>)
        %add3A_133 = arith.constant 2 : i32
        %add3A_134 = arith.addi %add3A_89, %add3A_133 : i32
        %lt3A_135 = arith.constant 25 : i32
        %lt3A_136 = arith.cmpi slt, %add3A_134, %lt3A_135 : i32
        %convert_element_type3A_137 = arith.extui %lt3A_136 : i1 to i32
        %cond3A_138 = arith.constant 0 : i32
        %cond3A_139 = arith.cmpi ne, %convert_element_type3A_137, %cond3A_138 : i32
        scf.if %cond3A_139 {
          %ge3A = arith.constant 1 : i32
          %ge3A_140 = arith.cmpi sge, %add3A_89, %ge3A : i32
          %convert_element_type3A_141 = arith.extui %ge3A_140 : i1 to i32
          %cond3A_142 = arith.constant 0 : i32
          %cond3A_143 = arith.cmpi ne, %convert_element_type3A_141, %cond3A_142 : i32
          scf.if %cond3A_143 {
            %mul3A_157 = arith.constant 3200 : i32
            %mul3A_158 = arith.muli %add3A, %mul3A_157 : i32
            %sub3A = arith.constant 1 : i32
            %sub3A_159 = arith.subi %add3A_89, %sub3A : i32
            %mul3A_160 = arith.constant 128 : i32
            %mul3A_161 = arith.muli %sub3A_159, %mul3A_160 : i32
            %add3A_162 = arith.addi %mul3A_158, %mul3A_161 : i32
            %dma_wait3A_163 = arith.constant 0 : i32
            %dma_wait3A_164 = arith.constant 0 : i32
            %dma_wait3A_165 = arith.constant 0 : i32
            %dma_wait3A_166 = tpu.memref_slice %arg6[%dma_wait3A_163, %dma_wait3A_164, %dma_wait3A_165] : memref<3x128x128xf32, #tpu.memory_space<vmem>> -> memref<1x128x128xf32, #tpu.memory_space<vmem>>
            %dma_wait3A_167 = tpu.memref_squeeze %dma_wait3A_166 : memref<1x128x128xf32, #tpu.memory_space<vmem>> -> memref<128x128xf32, #tpu.memory_space<vmem>>
            %dma_wait3A_168 = arith.constant 0 : i32
            %dma_wait3A_169 = tpu.memref_slice %arg4[%add3A_162, %dma_wait3A_168] : memref<102400x128xf32, #tpu.memory_space<hbm>> -> memref<128x128xf32, #tpu.memory_space<hbm>>
            %dma_wait3A_170 = arith.constant 0 : i32
            %dma_wait3A_171 = tpu.memref_slice %arg4[%add3A_162, %dma_wait3A_170] : memref<102400x128xf32, #tpu.memory_space<hbm>> -> memref<128x128xf32, #tpu.memory_space<hbm>>
            %dma_wait3A_172 = arith.constant 0 : i32
            %dma_wait3A_173 = arith.constant 0 : i32
            %dma_wait3A_174 = tpu.memref_slice %arg6[%dma_wait3A_163, %dma_wait3A_172, %dma_wait3A_173] : memref<3x128x128xf32, #tpu.memory_space<vmem>> -> memref<1x128x128xf32, #tpu.memory_space<vmem>>
            %dma_wait3A_175 = tpu.memref_squeeze %dma_wait3A_174 : memref<1x128x128xf32, #tpu.memory_space<vmem>> -> memref<128x128xf32, #tpu.memory_space<vmem>>
            tpu.wait_dma2 semaphore(%arg10 : memref<!tpu.dma_semaphore, #tpu.memory_space<semaphore_mem>>) src(%dma_wait3A_175 : memref<128x128xf32, #tpu.memory_space<vmem>>) dst(%dma_wait3A_171 : memref<128x128xf32, #tpu.memory_space<hbm>>)
          } else {
          }
          %add3A_144 = arith.constant 2 : i32
          %add3A_145 = arith.addi %add3A_89, %add3A_144 : i32
          %dma_start3A_146 = arith.constant 0 : i32
          %dma_start3A_147 = arith.constant 0 : i32
          %dma_start3A_148 = arith.constant 0 : i32
          %dma_start3A_149 = tpu.memref_slice %arg6[%dma_start3A_146, %dma_start3A_147, %dma_start3A_148] : memref<3x128x128xf32, #tpu.memory_space<vmem>> -> memref<1x128x128xf32, #tpu.memory_space<vmem>>
          %dma_start3A_150 = tpu.memref_squeeze %dma_start3A_149 : memref<1x128x128xf32, #tpu.memory_space<vmem>> -> memref<128x128xf32, #tpu.memory_space<vmem>>
          %dma_start3A_151 = arith.constant 0 : i32
          %dma_start3A_152 = tpu.memref_slice %arg5[%add3A_145, %dma_start3A_151] : memref<25x128xi32, #tpu.memory_space<vmem>> -> memref<1x128xi32, #tpu.memory_space<vmem>>
          %dma_start3A_153 = tpu.memref_squeeze %dma_start3A_152 : memref<1x128xi32, #tpu.memory_space<vmem>> -> memref<128xi32, #tpu.memory_space<vmem>>
          %dma_start3A_154 = arith.constant 0 : i32
          %dma_start3A_155 = arith.constant 0 : i32
          %dma_start3A_156 = tpu.memref_slice %arg3[%dma_start3A_154, %dma_start3A_155] : memref<100x128xf32, #tpu.memory_space<hbm>> -> memref<100x128xf32, #tpu.memory_space<hbm>>
          tpu.enqueue_indirect_dma source(%dma_start3A_156 : memref<100x128xf32, #tpu.memory_space<hbm>>) target(%dma_start3A_150 : memref<128x128xf32, #tpu.memory_space<vmem>>) offsets(%dma_start3A_153 : memref<128xi32, #tpu.memory_space<vmem>>) semaphore(%arg7 : memref<!tpu.dma_semaphore, #tpu.memory_space<semaphore_mem>>)
        } else {
        }
      } else {
      }
      %mul3A_95 = arith.constant 3 : i32
      %mul3A_96 = arith.muli %scan3A_79, %mul3A_95 : i32
      %add3A_97 = arith.constant 2 : i32
      %add3A_98 = arith.addi %mul3A_96, %add3A_97 : i32
      %lt3A_99 = arith.constant 25 : i32
      %lt3A_100 = arith.cmpi slt, %add3A_98, %lt3A_99 : i32
      %convert_element_type3A_101 = arith.extui %lt3A_100 : i1 to i32
      %cond3A_102 = arith.constant 0 : i32
      %cond3A_103 = arith.cmpi ne, %convert_element_type3A_101, %cond3A_102 : i32
      scf.if %cond3A_103 {
        %dma_wait3A_104 = arith.constant 2 : i32
        %dma_wait3A_105 = arith.constant 0 : i32
        %dma_wait3A_106 = arith.constant 0 : i32
        %dma_wait3A_107 = tpu.memref_slice %arg6[%dma_wait3A_104, %dma_wait3A_105, %dma_wait3A_106] : memref<3x128x128xf32, #tpu.memory_space<vmem>> -> memref<1x128x128xf32, #tpu.memory_space<vmem>>
        %dma_wait3A_108 = tpu.memref_squeeze %dma_wait3A_107 : memref<1x128x128xf32, #tpu.memory_space<vmem>> -> memref<128x128xf32, #tpu.memory_space<vmem>>
        %dma_wait3A_109 = arith.constant 0 : i32
        %dma_wait3A_110 = tpu.memref_slice %arg5[%add3A_98, %dma_wait3A_109] : memref<25x128xi32, #tpu.memory_space<vmem>> -> memref<1x128xi32, #tpu.memory_space<vmem>>
        %dma_wait3A_111 = tpu.memref_squeeze %dma_wait3A_110 : memref<1x128xi32, #tpu.memory_space<vmem>> -> memref<128xi32, #tpu.memory_space<vmem>>
        %dma_wait3A_112 = arith.constant 0 : i32
        %dma_wait3A_113 = arith.constant 0 : i32
        %dma_wait3A_114 = tpu.memref_slice %arg3[%dma_wait3A_112, %dma_wait3A_113] : memref<100x128xf32, #tpu.memory_space<hbm>> -> memref<100x128xf32, #tpu.memory_space<hbm>>
        tpu.wait_indirect_dma semaphore(%arg9 : memref<!tpu.dma_semaphore, #tpu.memory_space<semaphore_mem>>) src(%dma_wait3A_114 : memref<100x128xf32, #tpu.memory_space<hbm>>) dst(%dma_wait3A_108 : memref<128x128xf32, #tpu.memory_space<vmem>>)
        %mul3A_115 = arith.constant 3200 : i32
        %mul3A_116 = arith.muli %add3A, %mul3A_115 : i32
        %mul3A_117 = arith.constant 128 : i32
        %mul3A_118 = arith.muli %add3A_98, %mul3A_117 : i32
        %add3A_119 = arith.addi %mul3A_116, %mul3A_118 : i32
        %dma_start3A_120 = arith.constant 2 : i32
        %dma_start3A_121 = arith.constant 0 : i32
        %dma_start3A_122 = arith.constant 0 : i32
        %dma_start3A_123 = tpu.memref_slice %arg6[%dma_start3A_120, %dma_start3A_121, %dma_start3A_122] : memref<3x128x128xf32, #tpu.memory_space<vmem>> -> memref<1x128x128xf32, #tpu.memory_space<vmem>>
        %dma_start3A_124 = tpu.memref_squeeze %dma_start3A_123 : memref<1x128x128xf32, #tpu.memory_space<vmem>> -> memref<128x128xf32, #tpu.memory_space<vmem>>
        %dma_start3A_125 = arith.constant 0 : i32
        %dma_start3A_126 = tpu.memref_slice %arg4[%add3A_119, %dma_start3A_125] : memref<102400x128xf32, #tpu.memory_space<hbm>> -> memref<128x128xf32, #tpu.memory_space<hbm>>
        %dma_start3A_127 = arith.constant 0 : i32
        %dma_start3A_128 = tpu.memref_slice %arg4[%add3A_119, %dma_start3A_127] : memref<102400x128xf32, #tpu.memory_space<hbm>> -> memref<128x128xf32, #tpu.memory_space<hbm>>
        %dma_start3A_129 = arith.constant 0 : i32
        %dma_start3A_130 = arith.constant 0 : i32
        %dma_start3A_131 = tpu.memref_slice %arg6[%dma_start3A_120, %dma_start3A_129, %dma_start3A_130] : memref<3x128x128xf32, #tpu.memory_space<vmem>> -> memref<1x128x128xf32, #tpu.memory_space<vmem>>
        %dma_start3A_132 = tpu.memref_squeeze %dma_start3A_131 : memref<1x128x128xf32, #tpu.memory_space<vmem>> -> memref<128x128xf32, #tpu.memory_space<vmem>>
        tpu.enqueue_dma source(%dma_start3A_132 : memref<128x128xf32, #tpu.memory_space<vmem>>) target(%dma_start3A_128 : memref<128x128xf32, #tpu.memory_space<hbm>>) target_semaphore(%arg12 : memref<!tpu.dma_semaphore, #tpu.memory_space<semaphore_mem>>)
        %add3A_133 = arith.constant 2 : i32
        %add3A_134 = arith.addi %add3A_98, %add3A_133 : i32
        %lt3A_135 = arith.constant 25 : i32
        %lt3A_136 = arith.cmpi slt, %add3A_134, %lt3A_135 : i32
        %convert_element_type3A_137 = arith.extui %lt3A_136 : i1 to i32
        %cond3A_138 = arith.constant 0 : i32
        %cond3A_139 = arith.cmpi ne, %convert_element_type3A_137, %cond3A_138 : i32
        scf.if %cond3A_139 {
          %ge3A = arith.constant 1 : i32
          %ge3A_140 = arith.cmpi sge, %add3A_98, %ge3A : i32
          %convert_element_type3A_141 = arith.extui %ge3A_140 : i1 to i32
          %cond3A_142 = arith.constant 0 : i32
          %cond3A_143 = arith.cmpi ne, %convert_element_type3A_141, %cond3A_142 : i32
          scf.if %cond3A_143 {
            %mul3A_157 = arith.constant 3200 : i32
            %mul3A_158 = arith.muli %add3A, %mul3A_157 : i32
            %sub3A = arith.constant 1 : i32
            %sub3A_159 = arith.subi %add3A_98, %sub3A : i32
            %mul3A_160 = arith.constant 128 : i32
            %mul3A_161 = arith.muli %sub3A_159, %mul3A_160 : i32
            %add3A_162 = arith.addi %mul3A_158, %mul3A_161 : i32
            %dma_wait3A_163 = arith.constant 1 : i32
            %dma_wait3A_164 = arith.constant 0 : i32
            %dma_wait3A_165 = arith.constant 0 : i32
            %dma_wait3A_166 = tpu.memref_slice %arg6[%dma_wait3A_163, %dma_wait3A_164, %dma_wait3A_165] : memref<3x128x128xf32, #tpu.memory_space<vmem>> -> memref<1x128x128xf32, #tpu.memory_space<vmem>>
            %dma_wait3A_167 = tpu.memref_squeeze %dma_wait3A_166 : memref<1x128x128xf32, #tpu.memory_space<vmem>> -> memref<128x128xf32, #tpu.memory_space<vmem>>
            %dma_wait3A_168 = arith.constant 0 : i32
            %dma_wait3A_169 = tpu.memref_slice %arg4[%add3A_162, %dma_wait3A_168] : memref<102400x128xf32, #tpu.memory_space<hbm>> -> memref<128x128xf32, #tpu.memory_space<hbm>>
            %dma_wait3A_170 = arith.constant 0 : i32
            %dma_wait3A_171 = tpu.memref_slice %arg4[%add3A_162, %dma_wait3A_170] : memref<102400x128xf32, #tpu.memory_space<hbm>> -> memref<128x128xf32, #tpu.memory_space<hbm>>
            %dma_wait3A_172 = arith.constant 0 : i32
            %dma_wait3A_173 = arith.constant 0 : i32
            %dma_wait3A_174 = tpu.memref_slice %arg6[%dma_wait3A_163, %dma_wait3A_172, %dma_wait3A_173] : memref<3x128x128xf32, #tpu.memory_space<vmem>> -> memref<1x128x128xf32, #tpu.memory_space<vmem>>
            %dma_wait3A_175 = tpu.memref_squeeze %dma_wait3A_174 : memref<1x128x128xf32, #tpu.memory_space<vmem>> -> memref<128x128xf32, #tpu.memory_space<vmem>>
            tpu.wait_dma2 semaphore(%arg11 : memref<!tpu.dma_semaphore, #tpu.memory_space<semaphore_mem>>) src(%dma_wait3A_175 : memref<128x128xf32, #tpu.memory_space<vmem>>) dst(%dma_wait3A_171 : memref<128x128xf32, #tpu.memory_space<hbm>>)
          } else {
          }
          %add3A_144 = arith.constant 2 : i32
          %add3A_145 = arith.addi %add3A_98, %add3A_144 : i32
          %dma_start3A_146 = arith.constant 1 : i32
          %dma_start3A_147 = arith.constant 0 : i32
          %dma_start3A_148 = arith.constant 0 : i32
          %dma_start3A_149 = tpu.memref_slice %arg6[%dma_start3A_146, %dma_start3A_147, %dma_start3A_148] : memref<3x128x128xf32, #tpu.memory_space<vmem>> -> memref<1x128x128xf32, #tpu.memory_space<vmem>>
          %dma_start3A_150 = tpu.memref_squeeze %dma_start3A_149 : memref<1x128x128xf32, #tpu.memory_space<vmem>> -> memref<128x128xf32, #tpu.memory_space<vmem>>
          %dma_start3A_151 = arith.constant 0 : i32
          %dma_start3A_152 = tpu.memref_slice %arg5[%add3A_145, %dma_start3A_151] : memref<25x128xi32, #tpu.memory_space<vmem>> -> memref<1x128xi32, #tpu.memory_space<vmem>>
          %dma_start3A_153 = tpu.memref_squeeze %dma_start3A_152 : memref<1x128xi32, #tpu.memory_space<vmem>> -> memref<128xi32, #tpu.memory_space<vmem>>
          %dma_start3A_154 = arith.constant 0 : i32
          %dma_start3A_155 = arith.constant 0 : i32
          %dma_start3A_156 = tpu.memref_slice %arg3[%dma_start3A_154, %dma_start3A_155] : memref<100x128xf32, #tpu.memory_space<hbm>> -> memref<100x128xf32, #tpu.memory_space<hbm>>
          tpu.enqueue_indirect_dma source(%dma_start3A_156 : memref<100x128xf32, #tpu.memory_space<hbm>>) target(%dma_start3A_150 : memref<128x128xf32, #tpu.memory_space<vmem>>) offsets(%dma_start3A_153 : memref<128xi32, #tpu.memory_space<vmem>>) semaphore(%arg8 : memref<!tpu.dma_semaphore, #tpu.memory_space<semaphore_mem>>)
        } else {
        }
      } else {
      }
    }
    %scan3A_28 = arith.constant 9 : i32
    %mul3A_29 = arith.constant 3200 : i32
    %mul3A_30 = arith.muli %add3A, %mul3A_29 : i32
    %add3A_31 = arith.constant 2816 : i32
    %add3A_32 = arith.addi %mul3A_30, %add3A_31 : i32
    %dma_wait3A = arith.constant 1 : i32
    %dma_wait3A_33 = arith.constant 0 : i32
    %dma_wait3A_34 = arith.constant 0 : i32
    %dma_wait3A_35 = tpu.memref_slice %arg6[%dma_wait3A, %dma_wait3A_33, %dma_wait3A_34] : memref<3x128x128xf32, #tpu.memory_space<vmem>> -> memref<1x128x128xf32, #tpu.memory_space<vmem>>
    %dma_wait3A_36 = tpu.memref_squeeze %dma_wait3A_35 : memref<1x128x128xf32, #tpu.memory_space<vmem>> -> memref<128x128xf32, #tpu.memory_space<vmem>>
    %dma_wait3A_37 = arith.constant 0 : i32
    %dma_wait3A_38 = tpu.memref_slice %arg4[%add3A_32, %dma_wait3A_37] : memref<102400x128xf32, #tpu.memory_space<hbm>> -> memref<128x128xf32, #tpu.memory_space<hbm>>
    %dma_wait3A_39 = arith.constant 0 : i32
    %dma_wait3A_40 = tpu.memref_slice %arg4[%add3A_32, %dma_wait3A_39] : memref<102400x128xf32, #tpu.memory_space<hbm>> -> memref<128x128xf32, #tpu.memory_space<hbm>>
    %dma_wait3A_41 = arith.constant 0 : i32
    %dma_wait3A_42 = arith.constant 0 : i32
    %dma_wait3A_43 = tpu.memref_slice %arg6[%dma_wait3A, %dma_wait3A_41, %dma_wait3A_42] : memref<3x128x128xf32, #tpu.memory_space<vmem>> -> memref<1x128x128xf32, #tpu.memory_space<vmem>>
    %dma_wait3A_44 = tpu.memref_squeeze %dma_wait3A_43 : memref<1x128x128xf32, #tpu.memory_space<vmem>> -> memref<128x128xf32, #tpu.memory_space<vmem>>
    tpu.wait_dma2 semaphore(%arg11 : memref<!tpu.dma_semaphore, #tpu.memory_space<semaphore_mem>>) src(%dma_wait3A_44 : memref<128x128xf32, #tpu.memory_space<vmem>>) dst(%dma_wait3A_40 : memref<128x128xf32, #tpu.memory_space<hbm>>)
    %mul3A_45 = arith.constant 3200 : i32
    %mul3A_46 = arith.muli %add3A, %mul3A_45 : i32
    %add3A_47 = arith.constant 2944 : i32
    %add3A_48 = arith.addi %mul3A_46, %add3A_47 : i32
    %dma_wait3A_49 = arith.constant 2 : i32
    %dma_wait3A_50 = arith.constant 0 : i32
    %dma_wait3A_51 = arith.constant 0 : i32
    %dma_wait3A_52 = tpu.memref_slice %arg6[%dma_wait3A_49, %dma_wait3A_50, %dma_wait3A_51] : memref<3x128x128xf32, #tpu.memory_space<vmem>> -> memref<1x128x128xf32, #tpu.memory_space<vmem>>
    %dma_wait3A_53 = tpu.memref_squeeze %dma_wait3A_52 : memref<1x128x128xf32, #tpu.memory_space<vmem>> -> memref<128x128xf32, #tpu.memory_space<vmem>>
    %dma_wait3A_54 = arith.constant 0 : i32
    %dma_wait3A_55 = tpu.memref_slice %arg4[%add3A_48, %dma_wait3A_54] : memref<102400x128xf32, #tpu.memory_space<hbm>> -> memref<128x128xf32, #tpu.memory_space<hbm>>
    %dma_wait3A_56 = arith.constant 0 : i32
    %dma_wait3A_57 = tpu.memref_slice %arg4[%add3A_48, %dma_wait3A_56] : memref<102400x128xf32, #tpu.memory_space<hbm>> -> memref<128x128xf32, #tpu.memory_space<hbm>>
    %dma_wait3A_58 = arith.constant 0 : i32
    %dma_wait3A_59 = arith.constant 0 : i32
    %dma_wait3A_60 = tpu.memref_slice %arg6[%dma_wait3A_49, %dma_wait3A_58, %dma_wait3A_59] : memref<3x128x128xf32, #tpu.memory_space<vmem>> -> memref<1x128x128xf32, #tpu.memory_space<vmem>>
    %dma_wait3A_61 = tpu.memref_squeeze %dma_wait3A_60 : memref<1x128x128xf32, #tpu.memory_space<vmem>> -> memref<128x128xf32, #tpu.memory_space<vmem>>
    tpu.wait_dma2 semaphore(%arg12 : memref<!tpu.dma_semaphore, #tpu.memory_space<semaphore_mem>>) src(%dma_wait3A_61 : memref<128x128xf32, #tpu.memory_space<vmem>>) dst(%dma_wait3A_57 : memref<128x128xf32, #tpu.memory_space<hbm>>)
    %mul3A_62 = arith.constant 3200 : i32
    %mul3A_63 = arith.muli %add3A, %mul3A_62 : i32
    %add3A_64 = arith.constant 3072 : i32
    %add3A_65 = arith.addi %mul3A_63, %add3A_64 : i32
    %dma_wait3A_66 = arith.constant 0 : i32
    %dma_wait3A_67 = arith.constant 0 : i32
    %dma_wait3A_68 = arith.constant 0 : i32
    %dma_wait3A_69 = tpu.memref_slice %arg6[%dma_wait3A_66, %dma_wait3A_67, %dma_wait3A_68] : memref<3x128x128xf32, #tpu.memory_space<vmem>> -> memref<1x128x128xf32, #tpu.memory_space<vmem>>
    %dma_wait3A_70 = tpu.memref_squeeze %dma_wait3A_69 : memref<1x128x128xf32, #tpu.memory_space<vmem>> -> memref<128x128xf32, #tpu.memory_space<vmem>>
    %dma_wait3A_71 = arith.constant 0 : i32
    %dma_wait3A_72 = tpu.memref_slice %arg4[%add3A_65, %dma_wait3A_71] : memref<102400x128xf32, #tpu.memory_space<hbm>> -> memref<128x128xf32, #tpu.memory_space<hbm>>
    %dma_wait3A_73 = arith.constant 0 : i32
    %dma_wait3A_74 = tpu.memref_slice %arg4[%add3A_65, %dma_wait3A_73] : memref<102400x128xf32, #tpu.memory_space<hbm>> -> memref<128x128xf32, #tpu.memory_space<hbm>>
    %dma_wait3A_75 = arith.constant 0 : i32
    %dma_wait3A_76 = arith.constant 0 : i32
    %dma_wait3A_77 = tpu.memref_slice %arg6[%dma_wait3A_66, %dma_wait3A_75, %dma_wait3A_76] : memref<3x128x128xf32, #tpu.memory_space<vmem>> -> memref<1x128x128xf32, #tpu.memory_space<vmem>>
    %dma_wait3A_78 = tpu.memref_squeeze %dma_wait3A_77 : memref<1x128x128xf32, #tpu.memory_space<vmem>> -> memref<128x128xf32, #tpu.memory_space<vmem>>
    tpu.wait_dma2 semaphore(%arg10 : memref<!tpu.dma_semaphore, #tpu.memory_space<semaphore_mem>>) src(%dma_wait3A_78 : memref<128x128xf32, #tpu.memory_space<vmem>>) dst(%dma_wait3A_74 : memref<128x128xf32, #tpu.memory_space<hbm>>)
    return
  }
}

module attributes {stable_mosaic.version = 14 : i64} {
  func.func @_edge_body(%arg0: i32, %arg1: memref<3x1000x128xf32, #tpu.memory_space<vmem>>, %arg2: memref<16x1000x128xf32, #tpu.memory_space<vmem>>) attributes {dimension_semantics = [#tpu.dimension_semantics<arbitrary>], iteration_bounds = array<i64: 50>, scalar_prefetch = 0 : i64, scratch_operands = 0 : i64, tpu.core_type = #tpu.core_type<tc>, window_params = [{transform_indices = @transform_0, window_bounds = array<i64: 3, 1000, 128>}, {transform_indices = @transform_1, window_bounds = array<i64: 16, 1000, 128>}]} {
    %get3A = arith.constant 0 : index
    %get3A_0 = arith.constant 0 : index
    %get3A_1 = arith.constant 0 : index
    %get3A_2 = vector.load %arg1[%get3A, %get3A_0, %get3A_1] : memref<3x1000x128xf32, #tpu.memory_space<vmem>>, vector<1x1000x128xf32>
    %get3A_3 = vector.shape_cast %get3A_2 : vector<1x1000x128xf32> to vector<1000x128xf32>
    %get3A_4 = arith.constant 1 : index
    %get3A_5 = arith.constant 0 : index
    %get3A_6 = arith.constant 0 : index
    %get3A_7 = vector.load %arg1[%get3A_4, %get3A_5, %get3A_6] : memref<3x1000x128xf32, #tpu.memory_space<vmem>>, vector<1x1000x128xf32>
    %get3A_8 = vector.shape_cast %get3A_7 : vector<1x1000x128xf32> to vector<1000x128xf32>
    %get3A_9 = arith.constant 2 : index
    %get3A_10 = arith.constant 0 : index
    %get3A_11 = arith.constant 0 : index
    %get3A_12 = vector.load %arg1[%get3A_9, %get3A_10, %get3A_11] : memref<3x1000x128xf32, #tpu.memory_space<vmem>>, vector<1x1000x128xf32>
    %get3A_13 = vector.shape_cast %get3A_12 : vector<1x1000x128xf32> to vector<1000x128xf32>
    %mul3A = arith.mulf %get3A_3, %get3A_3 : vector<1000x128xf32>
    %mul3A_14 = arith.mulf %get3A_8, %get3A_8 : vector<1000x128xf32>
    %add3A = arith.addf %mul3A, %mul3A_14 : vector<1000x128xf32>
    %mul3A_15 = arith.mulf %get3A_13, %get3A_13 : vector<1000x128xf32>
    %add3A_16 = arith.addf %add3A, %mul3A_15 : vector<1000x128xf32>
    %sqrt3A = math.sqrt %add3A_16 : vector<1000x128xf32>
    %mul3A_17 = arith.constant 0.628318548 : f32
    %mul3A_18 = vector.broadcast %mul3A_17 : f32 to vector<1000x128xf32>
    %mul3A_19 = arith.mulf %sqrt3A, %mul3A_18 : vector<1000x128xf32>
    %sqrt3A_20 = arith.constant 4.000000e-01 : f32
    %sqrt3A_21 = math.sqrt %sqrt3A_20 : f32
    %max3A = arith.constant 9.99999971E-10 : f32
    %max3A_22 = vector.broadcast %max3A : f32 to vector<1000x128xf32>
    %max3A_23 = arith.maximumf %sqrt3A, %max3A_22 : vector<1000x128xf32>
    %div3A = vector.broadcast %sqrt3A_21 : f32 to vector<1000x128xf32>
    %div3A_24 = arith.divf %div3A, %max3A_23 : vector<1000x128xf32>
    %sin3A = math.sin %mul3A_19 : vector<1000x128xf32>
    %cos3A = math.cos %mul3A_19 : vector<1000x128xf32>
    %mul3A_25 = arith.constant 2.000000e+00 : f32
    %mul3A_26 = vector.broadcast %mul3A_25 : f32 to vector<1000x128xf32>
    %mul3A_27 = arith.mulf %mul3A_26, %cos3A : vector<1000x128xf32>
    %mul3A_28 = arith.mulf %div3A_24, %sin3A : vector<1000x128xf32>
    %mul3A_29 = arith.mulf %mul3A_27, %mul3A_28 : vector<1000x128xf32>
    %mul3A_30 = arith.mulf %mul3A_27, %mul3A_29 : vector<1000x128xf32>
    %sub3A = arith.subf %mul3A_30, %mul3A_28 : vector<1000x128xf32>
    %mul3A_31 = arith.mulf %mul3A_27, %sub3A : vector<1000x128xf32>
    %sub3A_32 = arith.subf %mul3A_31, %mul3A_29 : vector<1000x128xf32>
    %mul3A_33 = arith.mulf %mul3A_27, %sub3A_32 : vector<1000x128xf32>
    %sub3A_34 = arith.subf %mul3A_33, %sub3A : vector<1000x128xf32>
    %mul3A_35 = arith.mulf %mul3A_27, %sub3A_34 : vector<1000x128xf32>
    %sub3A_36 = arith.subf %mul3A_35, %sub3A_32 : vector<1000x128xf32>
    %mul3A_37 = arith.mulf %mul3A_27, %sub3A_36 : vector<1000x128xf32>
    %sub3A_38 = arith.subf %mul3A_37, %sub3A_34 : vector<1000x128xf32>
    %mul3A_39 = arith.mulf %mul3A_27, %sub3A_38 : vector<1000x128xf32>
    %sub3A_40 = arith.subf %mul3A_39, %sub3A_36 : vector<1000x128xf32>
    %mul3A_41 = arith.mulf %mul3A_27, %sub3A_40 : vector<1000x128xf32>
    %sub3A_42 = arith.subf %mul3A_41, %sub3A_38 : vector<1000x128xf32>
    %mul3A_43 = arith.mulf %mul3A_27, %sub3A_42 : vector<1000x128xf32>
    %sub3A_44 = arith.subf %mul3A_43, %sub3A_40 : vector<1000x128xf32>
    %mul3A_45 = arith.mulf %mul3A_27, %sub3A_44 : vector<1000x128xf32>
    %sub3A_46 = arith.subf %mul3A_45, %sub3A_42 : vector<1000x128xf32>
    %mul3A_47 = arith.mulf %mul3A_27, %sub3A_46 : vector<1000x128xf32>
    %sub3A_48 = arith.subf %mul3A_47, %sub3A_44 : vector<1000x128xf32>
    %mul3A_49 = arith.mulf %mul3A_27, %sub3A_48 : vector<1000x128xf32>
    %sub3A_50 = arith.subf %mul3A_49, %sub3A_46 : vector<1000x128xf32>
    %mul3A_51 = arith.mulf %mul3A_27, %sub3A_50 : vector<1000x128xf32>
    %sub3A_52 = arith.subf %mul3A_51, %sub3A_48 : vector<1000x128xf32>
    %mul3A_53 = arith.mulf %mul3A_27, %sub3A_52 : vector<1000x128xf32>
    %sub3A_54 = arith.subf %mul3A_53, %sub3A_50 : vector<1000x128xf32>
    %mul3A_55 = arith.mulf %mul3A_27, %sub3A_54 : vector<1000x128xf32>
    %sub3A_56 = arith.subf %mul3A_55, %sub3A_52 : vector<1000x128xf32>
    %stack3A = vector.shape_cast %mul3A_28 : vector<1000x128xf32> to vector<1x1000x128xf32>
    %stack3A_57 = vector.shape_cast %mul3A_29 : vector<1000x128xf32> to vector<1x1000x128xf32>
    %stack3A_58 = vector.shape_cast %sub3A : vector<1000x128xf32> to vector<1x1000x128xf32>
    %stack3A_59 = vector.shape_cast %sub3A_32 : vector<1000x128xf32> to vector<1x1000x128xf32>
    %stack3A_60 = vector.shape_cast %sub3A_34 : vector<1000x128xf32> to vector<1x1000x128xf32>
    %stack3A_61 = vector.shape_cast %sub3A_36 : vector<1000x128xf32> to vector<1x1000x128xf32>
    %stack3A_62 = vector.shape_cast %sub3A_38 : vector<1000x128xf32> to vector<1x1000x128xf32>
    %stack3A_63 = vector.shape_cast %sub3A_40 : vector<1000x128xf32> to vector<1x1000x128xf32>
    %stack3A_64 = vector.shape_cast %sub3A_42 : vector<1000x128xf32> to vector<1x1000x128xf32>
    %stack3A_65 = vector.shape_cast %sub3A_44 : vector<1000x128xf32> to vector<1x1000x128xf32>
    %stack3A_66 = vector.shape_cast %sub3A_46 : vector<1000x128xf32> to vector<1x1000x128xf32>
    %stack3A_67 = vector.shape_cast %sub3A_48 : vector<1000x128xf32> to vector<1x1000x128xf32>
    %stack3A_68 = vector.shape_cast %sub3A_50 : vector<1000x128xf32> to vector<1x1000x128xf32>
    %stack3A_69 = vector.shape_cast %sub3A_52 : vector<1000x128xf32> to vector<1x1000x128xf32>
    %stack3A_70 = vector.shape_cast %sub3A_54 : vector<1000x128xf32> to vector<1x1000x128xf32>
    %stack3A_71 = vector.shape_cast %sub3A_56 : vector<1000x128xf32> to vector<1x1000x128xf32>
    %stack3A_72 = tpu.concatenate %stack3A, %stack3A_57, %stack3A_58, %stack3A_59, %stack3A_60, %stack3A_61, %stack3A_62, %stack3A_63, %stack3A_64, %stack3A_65, %stack3A_66, %stack3A_67, %stack3A_68, %stack3A_69, %stack3A_70, %stack3A_71 in 0 : vector<1x1000x128xf32>, vector<1x1000x128xf32>, vector<1x1000x128xf32>, vector<1x1000x128xf32>, vector<1x1000x128xf32>, vector<1x1000x128xf32>, vector<1x1000x128xf32>, vector<1x1000x128xf32>, vector<1x1000x128xf32>, vector<1x1000x128xf32>, vector<1x1000x128xf32>, vector<1x1000x128xf32>, vector<1x1000x128xf32>, vector<1x1000x128xf32>, vector<1x1000x128xf32>, vector<1x1000x128xf32> -> vector<16x1000x128xf32>
    %swap3A = arith.constant 0 : index
    %swap3A_73 = arith.constant 0 : index
    %swap3A_74 = arith.constant 0 : index
    %swap3A_75 = vector.load %arg2[%swap3A, %swap3A_73, %swap3A_74] : memref<16x1000x128xf32, #tpu.memory_space<vmem>>, vector<16x1000x128xf32>
    tpu.vector_store %arg2[%swap3A, %swap3A_73, %swap3A_74], %stack3A_72 {strides = array<i32>} : memref<16x1000x128xf32, #tpu.memory_space<vmem>>, vector<16x1000x128xf32>,
    return
  }
  func.func @transform_0(%arg0: i32) -> (i32, i32, i32) {
    %c0_i32 = arith.constant 0 : i32
    %c0_i32_0 = arith.constant 0 : i32
    %c0_i32_1 = arith.constant 0 : i32
    return %c0_i32, %arg0, %c0_i32_0 : i32, i32, i32
  }
  func.func @transform_1(%arg0: i32) -> (i32, i32, i32) {
    %c0_i32 = arith.constant 0 : i32
    %c0_i32_0 = arith.constant 0 : i32
    %c0_i32_1 = arith.constant 0 : i32
    return %c0_i32, %arg0, %c0_i32_0 : i32, i32, i32
  }
}

</mosaic_0001>

<sc_bundles>
// kernel: kernel.4.cloned.1.call-start
scs
__scs_entry_jumppad:
0x0: {  	(pc) =	sbr.rel $0x88, $3  }
0x1: {  	(tag) =	ssettag $0x0;
	lr =	simm.s32 $0x1  }
0x2: {  	[smem:$0x3F9D] =	sst lr;
	_ =	strace $0xD0000000  }
0x3: {  	_ = 	snop  }
0x4: {  	_ = 	snop  }
0x5: {  	_ = 	snop  }
0x6: {  	_ = 	snop  }
0x7: {  	_ = 	snop  }
__scs_overlays_trampoline_lowered:
0x8: {  	[smem:$0x3FAC] =	sst s0  }
0x9: {  	[smem:$0x3FAD] =	sst s1  }
0xa: {  	[smem:$0x3FAE] =	sst s2  }
0xb: {  	[smem:$0x3FAF] =	sst s3  }
0xc: {  	[smem:$0x3FB0] =	sst s4  }
0xd: {  	[smem:$0x3FB1] =	sst s5  }
0xe: {  	[smem:$0x3FB2] =	sst s6  }
0xf: {  	[smem:$0x3FB3] =	sst s7  }
0x10: {  	[smem:$0x3FB4] =	sst s8  }
0x11: {  	[smem:$0x3FB5] =	sst s9;
	s0 =	simm.s32 @!p0 $0x0  }
0x12: {  	s1 =	sld [smem:$0x3F9B];
	s0 =	simm.s32 @p0 $0x1  }
0x13: {  	[smem:$0x3FB6] =	sst s0;
	s0 =	simm.s32 @!p1 $0x0  }
0x14: {  	s2 =	sld [smem:$0x3F9A];
	s0 =	simm.s32 @p1 $0x1  }
0x15: {  	[smem:$0x3FB7] =	sst s0;
	s0 =	simm.s32 @!p2 $0x0  }
0x16: {  	s3 =	sld [smem:$0x3FDB];
	s0 =	simm.s32 @p2 $0x1  }
0x17: {  	s4 =	simm.s32 $0x1BF5;
	[smem:$0x3FB9] =	sst s0  }
0x18: {  	s0 =	sld [smem:$0x3F9C];
	_ =	swait.ge [sflag:s4], $0x0  }
0x19: {  	s7 =	sld [smem:$0x3F9D]  }
0x1a: {  	s8 =	sadd.s32 $0xFFFFE003, lr  }
0x1b: {  	s9 =	sadd.s32 $0xFFFFFEF7, lr;
	s5 =	simm.s32 $0xFFFFFFFF;
	p2 =	slt.u32 s8, $0xFFFFF086  }
0x1c: {  	p1 =	slt.u32 s9, $0xF7A;
	s5 =	simm.s32 @!p2 $0x0  }
0x1d: {  	s5 =	simm.s32 @p1 $0x1;
	p0 =	seq.s32 s7, s2  }
0x1e: {  	s7 =	smul.u32 @!p0 $0xF7A, s2;
	p2 =	seq.s32 @!p0 s5, $0x0  }
0x1f: {  	s9 =	smul.u32 $0xF7A, s1;
	s8 =	simm.s32 @!p0 $0x1BF5;
	p2 =	por !p2, p0  }
0x20: {  	[sflag:s8] =	ssyncset.s32 @!p0 $0xFFFFF086;
	s6 =	sadd.s32 @!p0 s3, s7;
	s7 =	simm.s32 @!p0 $0x108  }
0x21: {  	s3 =	sadd.s32 s3, s9;
	s6 =	sadd.s32 @!p0 $0x88, s6;
	s7 =	simm.s32 @p2 $0x1082  }
0x22: {  	[simem:s7], [sflag:s8] =	dma.local @!p0 [hbm:s6], $0xF7A  }
0x23: {  	s9 =	sor.u32 $0xD0000000, s2;
	s6 =	simm.s32 $0x108;
	_ =	swait.ge @!p0 [sflag:s8], $0x0  }
0x24: {  	s3 =	sadd.s32 $0x88, s3;
	s6 =	simm.s32 @!p1 $0x1082;
	[sflag:s4] =	ssyncset.s32 $0xFFFFF086  }
0x25: {  	[simem:s6], [sflag:s4] =	dma.local [hbm:s3], $0xF7A  }
0x26: {  	[smem:$0x3F9D] =	sst s1;
	(tag) =	ssettag s2;
	_ =	strace s9  }
0x27: {  	s1 =	sld [smem:$0x3FAD]  }
0x28: {  	s2 =	sld [smem:$0x3FAE]  }
0x29: {  	s4 =	sld [smem:$0x3FB0]  }
0x2a: {  	p0 =	seq.s32 s5, $0x0;
	s5 =	sld [smem:$0x3FB1]  }
0x2b: {  	s6 =	sld [smem:$0x3FB2]  }
0x2c: {  	s7 =	sld [smem:$0x3FB3]  }
0x2d: {  	s3 =	simm.s32 $0x108;
	s8 =	sld [smem:$0x3FB4]  }
0x2e: {  	s3 =	simm.s32 @!p0 $0x1082;
	s9 =	sld [smem:$0x3FB5]  }
0x2f: {  	lr =	sadd.s32 s0, s3;
	s0 =	sld [smem:$0x3FAC]  }
0x30: {  	s3 =	sld [smem:$0x3FAF]  }
0x31: {  	[smem:$0x3FB8] =	sst s10  }
0x32: {  	s10 =	sld [smem:$0x3FB6];
	_ =	sdelay $0x3  }
0x33: {  	p0 =	seq.s32 s10, $0x1;
	s10 =	sld [smem:$0x3FB8];
	_ =	sdelay $0x3  }
0x34: {  	[smem:$0x3FB8] =	sst s10  }
0x35: {  	s10 =	sld [smem:$0x3FB7];
	_ =	sdelay $0x3  }
0x36: {  	p1 =	seq.s32 s10, $0x1;
	s10 =	sld [smem:$0x3FB8];
	_ =	sdelay $0x3  }
0x37: {  	[smem:$0x3FB8] =	sst s10  }
0x38: {  	s10 =	sld [smem:$0x3FB9]  }
0x39: {  	_ = 	snop;
	(pc) =	sbr.ind lr, $3  }
0x3a: {  	_ = 	snop  }
0x3b: {  	_ = 	snop  }
0x3c: {  	p2 =	seq.s32 s10, $0x1;
	s10 =	sld [smem:$0x3FB8]  }
0x3d: {  	_ =	shalt  }
0x3e: {  	_ =	shalt  }
0x3f: {  	_ =	shalt  }
0x40: {  	_ =	shalt  }
0x41: {  	_ =	shalt  }
0x42: {  	_ =	shalt  }
0x43: {  	_ =	shalt  }
0x44: {  	_ =	shalt  }
0x45: {  	_ =	shalt  }
0x46: {  	_ =	shalt  }
0x47: {  	_ =	shalt  }
0x48: {  	_ =	shalt  }
0x49: {  	_ =	shalt  }
0x4a: {  	_ =	shalt  }
0x4b: {  	_ =	shalt  }
0x4c: {  	_ =	shalt  }
0x4d: {  	_ =	shalt  }
0x4e: {  	_ =	shalt  }
0x4f: {  	_ =	shalt  }
0x50: {  	_ =	shalt  }
0x51: {  	_ =	shalt  }
0x52: {  	_ =	shalt  }
0x53: {  	_ =	shalt  }
0x54: {  	_ =	shalt  }
0x55: {  	_ =	shalt  }
0x56: {  	_ =	shalt  }
0x57: {  	_ =	shalt  }
0x58: {  	_ =	shalt  }
0x59: {  	_ =	shalt  }
0x5a: {  	_ =	shalt  }
0x5b: {  	_ =	shalt  }
0x5c: {  	_ =	shalt  }
0x5d: {  	_ =	shalt  }
0x5e: {  	_ =	shalt  }
0x5f: {  	_ =	shalt  }
0x60: {  	_ =	shalt  }
0x61: {  	_ =	shalt  }
0x62: {  	_ =	shalt  }
0x63: {  	_ =	shalt  }
0x64: {  	_ =	shalt  }
0x65: {  	_ =	shalt  }
0x66: {  	_ =	shalt  }
0x67: {  	_ =	shalt  }
0x68: {  	_ =	shalt  }
0x69: {  	_ =	shalt  }
0x6a: {  	_ =	shalt  }
0x6b: {  	_ =	shalt  }
0x6c: {  	_ =	shalt  }
0x6d: {  	_ =	shalt  }
0x6e: {  	_ =	shalt  }
0x6f: {  	_ =	shalt  }
0x70: {  	_ =	shalt  }
0x71: {  	_ =	shalt  }
0x72: {  	_ =	shalt  }
0x73: {  	_ =	shalt  }
0x74: {  	_ =	shalt  }
0x75: {  	_ =	shalt  }
0x76: {  	_ =	shalt  }
0x77: {  	_ =	shalt  }
0x78: {  	_ =	shalt  }
0x79: {  	_ =	shalt  }
0x7a: {  	_ =	shalt  }
0x7b: {  	_ =	shalt  }
0x7c: {  	_ =	shalt  }
0x7d: {  	_ =	shalt  }
0x7e: {  	_ =	shalt  }
0x7f: {  	_ =	shalt  }
0x80: {  	_ =	shalt  }
0x81: {  	_ =	shalt  }
0x82: {  	_ =	shalt  }
0x83: {  	_ =	shalt  }
0x84: {  	_ =	shalt  }
0x85: {  	_ =	shalt  }
0x86: {  	_ =	shalt  }
0x87: {  	_ =	shalt  }
.Lfunc_end0:
.L_simem_size_0:
called_computation.2_lowered:
.L_overlay_start_0:
0x88: {  	s2 =	sld [smem:$0x3FD9]  }
0x89: {  	s3 =	sld [smem:$0x3FFE];
	_ =	sdelay $0x1  }
0x8a: {  	s1 =	srdreg.scid  }
0x8b: {  	s0 =	sand.u32 $0x1, s1  }
0x8c: {  	s15 =	sshll.u32 s0, $0xA;
	s2 =	sadd.s32 s3, s2  }
0x8d: {  	s2 =	sadd.s32 s2, s15  }
0x8e: {  	[smem:$0x3FC4] =	sst s2  }
0x8f: {  	_ = 	snop  }
0x90: {  	s2 =	sld [smem:$0x3FD0];
	_ =	sdelay $0x2  }
0x91: {  	s4 =	simm.s32 $0xB;
	s16 =	simm.s32 $0x10  }
0x92: {  	[smem:s16], [sflag:s4] =	dma.local [hbm:s2], $0x1  }
0x93: {  	_ =	swait.eq [sflag:s4], $0x1  }
0x94: {  	[sflag:s4] =	ssyncset.done $0x0  }
0x95: {  	s17 =	sld [smem:$0x10];
	[sflag:s4] =	ssyncadd.s32 $0xFFFFFFFF  }
0x96: {  	s18 =	sld [smem:$0x11];
	(tm) =	ssettm $0x1  }
0x97: {  	s19 =	sld [smem:$0x3FFB];
	_ =	sdelay $0x3  }
0x98: {  	_ =	strace s19  }
0x99: {  	s2 =	sld [smem:$0x3FFC];
	_ =	sdelay $0x3  }
0x9a: {  	_ =	strace s2  }
0x9b: {  	s2 =	sld [smem:$0x3FFD];
	_ =	sdelay $0x3  }
0x9c: {  	_ =	strace s2  }
0x9d: {  	_ =	strace $0x8FFFFFFF  }
0x9e: {  	s20 =	sld [smem:$0x3FDB];
	_ =	sdelay $0x1  }
0x9f: {  	s5 =	simm.s32 $_scs_section_size  }
0xa0: {  	s6 =	simm.s32 $_size__tile_overlayer_lowered;
	s7 =	simm.s32 $_tile_overlayer_lowered  }
0xa1: {  	s8 =	simm.s32 $0x1BFF;
	s21 =	sshll.u32 s7, $0x1;
	s5 =	sadd.s32 s5, s20  }
0xa2: {  	s22 =	simm.s32 $0x0;
	s6 =	sshll.u32 s6, $0x1;
	s7 =	sadd.s32 s21, s5  }
0xa3: {  	[timem:s22], [sflag:s8] =	dma.local [hbm:s7], s6  }
0xa4: {  	_ =	swait.ge [sflag:s8], s6  }
0xa5: {  	s6 =	ssub.s32 $0x0, s6;
	[sflag:s8] =	ssyncset.done $0x0  }
0xa6: {  	[sflag:s8] =	ssyncadd.s32 s6;
	_ =	sdelay $0x1  }
0xa7: {  	s23 =	simm.s32 $0x1B8B  }
0xa8: {  	_ =	swait.ge [sflag:s23], $0x1  }
0xa9: {  	[sflag:s23] =	ssyncset.done $0x0  }
0xaa: {  	[sflag:s23] =	ssyncadd.s32 $0xFFFFFFFF  }
0xab: {  	s6 =	sld [smem:$0x0]  }
0xac: {  	s7 =	sand.u32 $0xFFFFFFFE, s1  }
0xad: {  	p0 =	sne.s32 s1, s7  }
0xae: {  	s7 =	sshll.u32 @p0 s7, $0xE  }
0xaf: {  	s7 =	sadd.s32 @p0 $0x11B8D, s7;
	s8 =	sshll.u32 @p0 s6, $0x11  }
0xb0: {  	s7 =	sor.u32 @p0 s8, s7  }
0xb1: {  	[sflag:s7] =	ssyncadd.remote.s32 @p0 $0x1;
	_ =	sdelay $0x1  }
0xb2: {  	s7 =	simm.s32 @p0 $0x1B8D  }
0xb3: {  	_ =	swait.eq @p0 [sflag:s7], $0x1  }
0xb4: {  	[sflag:s7] =	ssyncadd.s32 @p0 $0xFFFFFFFF  }
0xb5: {  	s8 =	sshll.u32 @!p0 s1, $0xE  }
0xb6: {  	s8 =	sor.u32 @!p0 $0x4000, s8;
	s7 =	simm.s32 @!p0 $0x1B8D  }
0xb7: {  	s6 =	sshll.u32 @!p0 s6, $0x11;
	s8 =	sadd.s32 @!p0 $0x11B8D, s8;
	_ =	swait.eq @!p0 [sflag:s7], $0x1  }
0xb8: {  	s6 =	sor.u32 @!p0 s6, s8;
	[sflag:s7] =	ssyncadd.s32 @!p0 $0xFFFFFFFF  }
0xb9: {  	s25 =	simm.s32 $0x1B8E;
	s24 =	sld [smem:$0x3FFE];
	[sflag:s6] =	ssyncadd.remote.s32 @!p0 $0x1  }
0xba: {  	s26 =	simm.s32 $execute0_lowered;
	[smem:$0x3FD2] =	sst s25  }
0xbb: {  	s7 =	sshll.u32 s26, $0x1;
	_ =	strace $0x80000049;
	[dreg:$0x1] =	wrdreg $0xFFFFFFFF  }
0xbc: {  	s28 =	simm.s32 $_size_execute0_lowered;
	s5 =	sadd.s32 s5, s7;
	[dreg:$0x0] =	wrdreg $0x0  }
0xbd: {  	s7 =	sshll.u32 s28, $0x1;
	[dreg:$0x2] =	wrdreg s5  }
0xbe: {  	[dreg:$0x3] =	wrdreg s7  }
0xbf: {  	[dreg:$0x4] =	wrdreg $0xC0  }
0xc0: {  	_ =	task [dreg:s22], $0x5FFFF  }
0xc1: {  	[dreg:$0x1] =	wrdreg $0xFFFFFFFF  }
0xc2: {  	[dreg:$0x0] =	wrdreg $0x60  }
0xc3: {  	[dreg:$0x2] =	wrdreg s18  }
0xc4: {  	[dreg:$0x3] =	wrdreg s17  }
0xc5: {  	[dreg:$0x4] =	wrdreg s24  }
0xc6: {  	[dreg:$0x5] =	wrdreg $0x9  }
0xc7: {  	_ =	task.clear_ibuf [dreg:s22], $0x6FFFF;
	_ =	strace $0x90000049  }
0xc8: {  	s29 =	simm.s32 $0x9;
	_ =	strace $0x8000004B  }
0xc9: {  	_ =	swait.ge [sflag:s29], $0x1  }
0xca: {  	[sflag:s29] =	ssyncadd.s32 $0xFFFFFFFF  }
0xcb: {  	_ =	strace $0x9000004B  }
0xcc: {  	_ =	sfence  }
0xcd: {  	s30 =	sld [smem:$0x0];
	_ =	sdelay $0x2  }
0xce: {  	s31 =	sshll.u32 s1, $0xD;
	s1 =	sshrl.u32 s1, $0x2  }
0xcf: {  	s4 =	sand.u32 $0x4000, s31;
	s1 =	sadd.s32 s1, s30  }
0xd0: {  	s0 =	sor.u32 s4, s0;
	s1 =	sshll.u32 s1, $0x11  }
0xd1: {  	s0 =	sor.u32 s1, s0  }
0xd2: {  	s0 =	sadd.s32 $0x8F2B, s0  }
0xd3: {  	[sflag:s0] =	ssyncadd.remote.s32 $0x1  }
0xd4: {  	_ =	sfence.sel $0xFFFF  }
0xd5: {  	[dreg:$0x0] =	wrdreg $0xFFFFFFFF;
	(pc) =	sbr.abs _section_cstart, $3  }
0xd6: {  	[dreg:$0x1] =	wrdreg $0xFFFFFFFF  }
0xd7: {  	_ =	task.clear_ibuf [dreg:s22], $0x2FFFF;
	_ =	strace $0x9FFFFFFF  }
0xd8: {  	(tm) =	ssettm $0x7FFFFFFF  }
0xd9: {  	_ =	shalt  }
tec
execute0_lowered:
.L_overlay_start_1:
0x0: {  	(tag) =	ssettag $0x1  }
0x1: {  	s4 =	rddreg [dreg:$0x0]  }
0x2: {  	s1 =	rddreg [dreg:$0x1]  }
0x3: {  	s5 =	rddreg [dreg:$0x2]  }
0x4: {  	s0 =	rddreg [dreg:$0x3];
	s2 =	simm.s32 $0x0;
	s3 =	srdreg.scid  }
0x5: {  	s13 =	simm.s32 $0x1;
	s14 =	simm.s32 $0x9000;
	s15 =	simm.s32 $0x2  }
0x6: {  	s16 =	simm.s32 $0x4;
	s17 =	simm.s32 $0x3;
	s18 =	simm.s32 $0x5  }
0x7: {  	s19 =	simm.s32 $0x6;
	s20 =	simm.s32 $0x0;
	[smem:$0x7FF] =	sst s2  }
0x8: {  	s6 =	sand.u32 $0x1, s3;
	s3 =	stileid.u32;
	s12 =	sadd.s32 $0x1400, s5  }
0x9: {  	_ =	strace $0x8000004A;
	s7 =	ssub.s32 $0x2, s6;
	s10 =	smul.u32 $0xC8000, s3  }
0xa: {  	s8 =	sshll.u32 s3, $0xA;
	s9 =	sshll.u32 s6, $0x9;
	s25 =	smul.u32 $0x64000, s6  }
0xb: {  	s29 =	smul.u32 $0x19000, s3;
	s11 =	sshrl.u32 s7, $0x1;
	s8 =	sor.u32 s9, s8  }
0xc: {  	s30 =	smul.u32 $0xC800, s6;
	s26 =	ssub.s32 s7, s11;
	s4 =	sadd.s32 s4, s8  }
.Ltmp0:
0xd: {  	s28 =	sadd.s32 s25, s10;
	s8 =	sadd.s32 s29, s12;
	(pc) =	sbr.rel .LBB2_1-.Ltmp0, $4  }
0xe: {  	s10 =	simm.s32 $0x80;
	s11 =	simm.s32 $0x1000;
	s5 =	smax.u32 s26, $0x1  }
0xf: {  	s9 =	sadd.s32 $0x8000, s28;
	s7 =	sadd.s32 $0x4000, s28;
	s8 =	sadd.s32 s30, s8  }
0x10: {  	s31 =	sshrl.u32 s9, $0x3;
	s7 =	sshrl.u32 s7, $0x3;
	s9 =	simm.s32 $0x7  }
0x11: {  	s6 =	sadd.s32 s31, s12;
	s7 =	sadd.s32 s7, s12;
	s12 =	simm.s32 $0x5000  }
.LBB2_6:
0x12: {  	_ =	swait.ge [sflag:s18], $0x4000  }
0x13: {  	[sflag:s18] =	ssyncset.done $0x0  }
0x14: {  	s20 =	sadd.s32 $0x1, s20;
	[sflag:s18] =	ssyncadd.s32 $0xFFFFC000  }
0x15: {  	p0 =	sne.s32 s20, s5;
	_ =	swait.ge [sflag:s19], $0x4000  }
.Ltmp1:
0x16: {  	[sflag:s19] =	ssyncset.done $0x0;
	(pc) =	sbr.rel @!p0 .LBB2_7-.Ltmp1, $4  }
0x17: {  	[sflag:s19] =	ssyncadd.s32 $0xFFFFC000  }
0x18: {  	_ =	swait.ge [sflag:s16], $0x4000  }
0x19: {  	[sflag:s16] =	ssyncset.done $0x0  }
0x1a: {  	[sflag:s16] =	ssyncadd.s32 $0xFFFFC000  }
.LBB2_1:
0x1b: {  	[tilespmem:s2], [sflag:$0x7] =	stream.linear.gather [hbm4b:s4+s2], $0xC80, $0x38;
	[tilespmem:$0xD000] =	vst v63  }
0x1c: {  	_ =	swait.ge [sflag:s9], $0xC80  }
.Ltmp2:
0x1d: {  	[sflag:s9] =	ssyncset.done $0x0;
	(pc) =	sbr.rel .LBB2_2-.Ltmp2, $4  }
0x1e: {  	s21 =	smov.u32 s8;
	s22 =	smov.u32 s7;
	[sflag:s9] =	ssyncadd.s32 $0xFFFFF380  }
0x1f: {  	[tilespmem:s11], [sflag:$0x1] =	stream.indirect.gather [hbm4b:s1+s10], $0x80, s2, s10, $0xb8;
	[tilespmem:$0xD000] =	vst v63  }
0x20: {  	s23 =	smov.u32 s6;
	s24 =	simm.s32 $0x0;
	s25 =	simm.s32 $0x0  }
0x21: {  	[tilespmem:s12], [sflag:$0x2] =	stream.indirect.gather [hbm4b:s1+s10], $0x80, s10, s10, $0xb8;
	[tilespmem:$0xD000] =	vst v63  }
.LBB2_5:
0x22: {  	s26 =	sshra.s32 s24, $0x2  }
0x23: {  	s28 =	sadd.s32 $0x100, s26  }
0x24: {  	[tilespmem:s14], [sflag:$0x3] =	stream.indirect.gather [hbm4b:s1+s10], $0x80, s28, s10, $0xb8;
	[tilespmem:$0xD000] =	vst v63  }
0x25: {  	_ =	swait.ge [sflag:s15], $0x4000  }
0x26: {  	[sflag:s15] =	ssyncset.done $0x0  }
0x27: {  	[sflag:s15] =	ssyncadd.s32 $0xFFFFC000  }
0x28: {  	[hbm4b:s22+s2] =	stream.linear.scatter [tilespmem:s12], [sflag:$0x5], $0x4000, $0x38;
	[tilespmem:$0xD000] =	vst v63  }
0x29: {  	_ =	swait.ge [sflag:s16], $0x4000  }
0x2a: {  	[sflag:s16] =	ssyncset.done $0x0  }
0x2b: {  	s26 =	sadd.s32 $0x180, s26;
	[sflag:s16] =	ssyncadd.s32 $0xFFFFC000  }
0x2c: {  	[tilespmem:s11], [sflag:$0x1] =	stream.indirect.gather [hbm4b:s1+s10], $0x80, s26, s10, $0xb8;
	[tilespmem:$0xD000] =	vst v63  }
0x2d: {  	_ =	swait.ge [sflag:s17], $0x4000  }
0x2e: {  	p0 =	sgt.u32 s25, $0x6;
	[sflag:s17] =	ssyncset.done $0x0  }
0x2f: {  	s26 =	simm.s32 @!p0 $0x5;
	[sflag:s17] =	ssyncadd.s32 $0xFFFFC000  }
0x30: {  	[hbm4b:s23+s2] =	stream.linear.scatter [tilespmem:s14], [sflag:$0x6], $0x4000, $0x38;
	[tilespmem:$0xD000] =	vst v63  }
0x31: {  	_ =	swait.ge @!p0 [sflag:s26], $0x4000  }
0x32: {  	[sflag:s26] =	ssyncset.done @!p0 $0x0  }
0x33: {  	s29 =	simm.s32 @!p0 $0x5000;
	[sflag:s26] =	ssyncadd.s32 @!p0 $0xFFFFC000;
	s26 =	sshra.s32 @!p0 s24, $0x2  }
0x34: {  	s28 =	simm.s32 @!p0 $0x80;
	s24 =	sadd.s32 $0x600, s24;
	s26 =	sadd.s32 @!p0 $0x200, s26  }
0x35: {  	[tilespmem:s29], [sflag:$0x2] =	stream.indirect.gather @!p0 [hbm4b:s1+s28], $0x80, s26, s28, $0xb8;
	[tilespmem:$0xD000] =	vst v63  }
0x36: {  	p0 =	sne.s32 s24, $0x3600  }
.Ltmp3:
0x37: {  	_ = 	snop;
	(pc) =	sbr.rel @!p0 .LBB2_6-.Ltmp3, $3  }
0x38: {  	_ =	sdelay $0x1  }
0x39: {  	s25 =	sadd.s32 $0x1, s25  }
0x3a: {  	s21 =	sadd.s32 $0x1800, s21;
	s22 =	sadd.s32 $0x1800, s22;
	s23 =	sadd.s32 $0x1800, s23  }
.LBB2_2:
0x3b: {  	p0 =	seq.s32 s25, $0x0  }
.Ltmp4:
0x3c: {  	_ = 	snop;
	(pc) =	sbr.rel @p0 .LBB2_5-.Ltmp4, $4  }
0x3d: {  	_ =	swait.ge [sflag:s13], $0x4000  }
0x3e: {  	[sflag:s13] =	ssyncset.done $0x0  }
0x3f: {  	[sflag:s13] =	ssyncadd.s32 $0xFFFFC000  }
0x40: {  	[hbm4b:s21+s2] =	stream.linear.scatter [tilespmem:s11], [sflag:$0x4], $0x4000, $0x38;
	[tilespmem:$0xD000] =	vst v63  }
0x41: {  	p0 =	seq.s32 s25, $0x8  }
.Ltmp5:
0x42: {  	_ = 	snop;
	(pc) =	sbr.rel @p0 .LBB2_6-.Ltmp5, $1  }
0x43: {  	_ =	sdelay $0x3  }
.Ltmp6:
0x44: {  	(pc) =	sbr.rel .LBB2_5-.Ltmp6, $4  }
0x45: {  	_ = 	snop  }
0x46: {  	_ =	swait.ge [sflag:s19], $0x4000  }
0x47: {  	[sflag:s19] =	ssyncset.done $0x0  }
0x48: {  	[sflag:s19] =	ssyncadd.s32 $0xFFFFC000  }
.LBB2_7:
0x49: {  	_ =	sfence.sel $0x180000  }
0x4a: {  	[bflag:$0x0] =	sbarrier.arrive $0xFFFF  }
0x4b: {  	p0 =	sne.s32 s3, $0x0;
	_ =	strace $0x9000004A  }
0x4c: {  	s0 =	sadd.s32 @!p0 $0x100000, s0;
	[bflag:$0x2] =	sbarrier.arrive $0xFFFF  }
0x4d: {  	[sflag:s0] =	ssyncadd.tile.s32 @!p0 $0x1;
	_ =	shalt  }
.Lfunc_end2:
_tile_overlayer_lowered:
.L_overlay_start_2:
0x4e: {  	(tag) =	ssettag $0x2  }
0x4f: {  	s0 =	rddreg [dreg:$0x0];
	s2 =	stileid.u32  }
0x50: {  	s1 =	rddreg [dreg:$0x1];
	p0 =	sne.s32 s2, $0x0  }
0x51: {  	s3 =	rddreg [dreg:$0x2];
	[bflag:$0x3] =	sbarrier.arrive $0xFFFF;
	s2 =	simm.s32 @!p0 $0x1C07  }
0x52: {  	[timem:s3], [sflag:s2] =	dma.local @!p0 [hbm:s0], s1  }
0x53: {  	s0 =	simm.s32 @!p0 $0x7  }
0x54: {  	_ =	swait.ge @!p0 [sflag:s0], s1  }
0x55: {  	s1 =	ssub.s32 @!p0 $0x0, s1;
	[sflag:s0] =	ssyncset.done @!p0 $0x0  }
0x56: {  	[sflag:s0] =	ssyncadd.s32 @!p0 s1  }
0x57: {  	[bflag:$0x3] =	sbarrier.arrive $0xFFFF  }
0x58: {  	_ =	shalt  }

// kernel: sparse-core-data-format-call.1.cloned.1.call-start
scs
called_computation.1_lowered:
.L_overlay_start_0:
0x0: {  	s2 =	sld [smem:$0x3FD9]  }
0x1: {  	s3 =	sld [smem:$0x3FFE];
	_ =	sdelay $0x1  }
0x2: {  	s1 =	srdreg.scid  }
0x3: {  	s0 =	sand.u32 $0x1, s1  }
0x4: {  	s16 =	sshll.u32 s0, $0xA;
	s2 =	sadd.s32 s3, s2  }
0x5: {  	s2 =	sadd.s32 s2, s16  }
0x6: {  	[smem:$0x3FC4] =	sst s2  }
0x7: {  	_ = 	snop  }
0x8: {  	s2 =	sld [smem:$0x3FD0];
	_ =	sdelay $0x2  }
0x9: {  	s4 =	simm.s32 $0xB;
	s5 =	simm.s32 $0x10;
	s17 =	sld [smem:$0x3FC8]  }
0xa: {  	[smem:s5], [sflag:s4] =	dma.local [hbm:s2], $0x1  }
0xb: {  	_ =	swait.eq [sflag:s4], $0x1  }
0xc: {  	[sflag:s4] =	ssyncset.done $0x0  }
0xd: {  	[sflag:s4] =	ssyncadd.s32 $0xFFFFFFFF  }
0xe: {  	s18 =	sld [smem:$0x12];
	(tm) =	ssettm $0x1  }
0xf: {  	s19 =	sld [smem:$0x3FFB];
	_ =	sdelay $0x3  }
0x10: {  	_ =	strace s19  }
0x11: {  	s4 =	sld [smem:$0x3FFC];
	_ =	sdelay $0x3  }
0x12: {  	_ =	strace s4  }
0x13: {  	s4 =	sld [smem:$0x3FFD];
	_ =	sdelay $0x3  }
0x14: {  	_ =	strace s4  }
0x15: {  	_ =	strace $0x8FFFFFFF  }
0x16: {  	s20 =	sld [smem:$0x3FDB];
	_ =	sdelay $0x1  }
0x17: {  	s21 =	simm.s32 $_scs_section_size  }
0x18: {  	s6 =	simm.s32 $_size__tile_overlayer_lowered;
	s7 =	simm.s32 $_tile_overlayer_lowered  }
0x19: {  	s24 =	simm.s32 $0x1BFF;
	s23 =	sshll.u32 s7, $0x1;
	s4 =	sadd.s32 s21, s20  }
0x1a: {  	s8 =	simm.s32 $0x0;
	s22 =	sshll.u32 s6, $0x1;
	s6 =	sadd.s32 s23, s4  }
0x1b: {  	[timem:s8], [sflag:s24] =	dma.local [hbm:s6], s22  }
0x1c: {  	_ =	swait.ge [sflag:s24], s22  }
0x1d: {  	s5 =	ssub.s32 $0x0, s22;
	[sflag:s24] =	ssyncset.done $0x0  }
0x1e: {  	[sflag:s24] =	ssyncadd.s32 s5;
	_ =	sdelay $0x1  }
0x1f: {  	s25 =	simm.s32 $0x1B8B  }
0x20: {  	_ =	swait.ge [sflag:s25], $0x1  }
0x21: {  	[sflag:s25] =	ssyncset.done $0x0  }
0x22: {  	s26 =	simm.s32 $0x1B8E;
	[sflag:s25] =	ssyncadd.s32 $0xFFFFFFFF  }
0x23: {  	s27 =	simm.s32 $execute0_lowered;
	[smem:$0x3FD2] =	sst s26  }
0x24: {  	s5 =	sshll.u32 s27, $0x1;
	_ =	strace $0x80000046;
	[dreg:$0x1] =	wrdreg $0xFFFFFFFF  }
0x25: {  	s28 =	simm.s32 $_size_execute0_lowered;
	s4 =	sadd.s32 s4, s5;
	[dreg:$0x0] =	wrdreg $0x0  }
0x26: {  	s5 =	sshll.u32 s28, $0x1;
	[dreg:$0x2] =	wrdreg s4  }
0x27: {  	[dreg:$0x3] =	wrdreg s5  }
0x28: {  	[dreg:$0x4] =	wrdreg $0xC0  }
0x29: {  	_ =	task [dreg:s8], $0x5FFFF  }
0x2a: {  	[dreg:$0x1] =	wrdreg $0xFFFFFFFF  }
0x2b: {  	[dreg:$0x0] =	wrdreg $0x60  }
0x2c: {  	[dreg:$0x2] =	wrdreg s17  }
0x2d: {  	[dreg:$0x3] =	wrdreg s18  }
0x2e: {  	[dreg:$0x4] =	wrdreg $0xA  }
0x2f: {  	_ =	task.clear_ibuf [dreg:s8], $0x5FFFF;
	_ =	strace $0x90000046  }
0x30: {  	s29 =	simm.s32 $0xA;
	_ =	strace $0x80000048  }
0x31: {  	_ =	swait.ge [sflag:s29], $0x1  }
0x32: {  	[sflag:s29] =	ssyncadd.s32 $0xFFFFFFFF  }
0x33: {  	_ =	strace $0x90000048  }
0x34: {  	_ =	sfence  }
0x35: {  	s30 =	sld [smem:$0x0];
	_ =	sdelay $0x2  }
0x36: {  	s31 =	sshll.u32 s1, $0xD;
	s1 =	sshrl.u32 s1, $0x2  }
0x37: {  	s3 =	sand.u32 $0x4000, s31;
	s1 =	sadd.s32 s1, s30  }
0x38: {  	s0 =	sor.u32 s3, s0;
	s1 =	sshll.u32 s1, $0x11  }
0x39: {  	s0 =	sor.u32 s1, s0  }
0x3a: {  	s0 =	sadd.s32 $0x8F2B, s0  }
0x3b: {  	[sflag:s0] =	ssyncadd.remote.s32 $0x1  }
0x3c: {  	_ =	sfence.sel $0xFFFF  }
0x3d: {  	[dreg:$0x0] =	wrdreg $0xFFFFFFFF;
	(pc) =	sbr.abs _section_cstart, $3  }
0x3e: {  	[dreg:$0x1] =	wrdreg $0xFFFFFFFF  }
0x3f: {  	_ =	task.clear_ibuf [dreg:s8], $0x2FFFF;
	_ =	strace $0x9FFFFFFF  }
0x40: {  	(tm) =	ssettm $0x7FFFFFFF  }
0x41: {  	_ =	shalt  }
tec
execute0_lowered:
.L_overlay_start_1:
0x0: {  	(tag) =	ssettag $0x1  }
0x1: {  	s2 =	rddreg [dreg:$0x0]  }
0x2: {  	s0 =	srdreg.scid;
	s4 =	rddreg [dreg:$0x1]  }
0x3: {  	s31 =	simm.s32 $0x2;
	s8 =	simm.s32 $0x0;
	s1 =	sshll.u32 s0, $0x4  }
0x4: {  	s9 =	simm.s32 $0x0;
	s0 =	stileid.u32;
	s1 =	sand.u32 $0x10, s1  }
0x5: {  	s16 =	simm.s32 $0x0;
	s15 =	simm.s32 $0x0;
	s1 =	sor.u32 s0, s1  }
0x6: {  	s10 =	simm.s32 $0x0;
	s11 =	simm.s32 $0x0;
	s3 =	sshll.u32 s1, $0x7  }
.Ltmp0:
0x7: {  	s12 =	simm.s32 $0x0;
	s5 =	ssub.s32 $0xC300, s3;
	(pc) =	sbr.rel .LBB1_1-.Ltmp0, $4  }
0x8: {  	s14 =	simm.s32 $0x0;
	s1 =	rddreg [dreg:$0x2];
	s6 =	sshrl.u32 s5, $0xC  }
0x9: {  	_ =	strace $0x80000047;
	s5 =	simm.s32 $0x1;
	s7 =	smul.u32 $0x3, s6  }
0xa: {  	s23 =	simm.s32 $0x0;
	s13 =	smov.u32 s3;
	[sflag:s5] =	ssyncpa.u1 $0x0  }
0xb: {  	[sflag:s31] =	ssyncpa.u1 $0x0;
	s6 =	sadd.s32 $0x3, s7;
	s7 =	sadd.s32 $0x4, s7  }
.LBB1_11:
0xc: {  	s20 =	sand.u32 $0x1FFFFFF, s11;
	p0 =	sgt.s32 s10, $0x2;
	s21 =	smov.u32 s10  }
0xd: {  	s22 =	smulhi.u32 $0x14F8B59, s20;
	s21 =	simm.s32 @!p0 $0x2  }
0xe: {  	s17 =	sadd.s32 s17, s21  }
0xf: {  	s27 =	sshrl.u32 s22, $0x8;
	s28 =	sadd.s32 $0xFFFFFFFE, s17  }
0x10: {  	s17 =	ssub.s32 $0x3, s17;
	s21 =	smul.u32 $0xC350, s27;
	p0 =	sgt.s32 s28, $0x0  }
0x11: {  	s29 =	smul.u32 $0xC3500, s10;
	s17 =	simm.s32 @p0 $0x0  }
0x12: {  	s20 =	ssub.s32 s20, s21;
	s17 =	smul.u32 s17, s18  }
0x13: {  	s31 =	sadd.s32 s4, s29;
	s30 =	sshll.u32 s20, $0x4  }
0x14: {  	s19 =	sor.u32 $0x8000, s19;
	s17 =	sand.u32 $0x3FFFFF80, s17;
	s18 =	sadd.s32 s30, s31  }
0x15: {  	[hbm4b:s18+s8] =	stream.linear.scatter [tilespmem:s19], [sflag:$0x2], s17, $0x38;
	[tilespmem:$0x10000] =	vst v63  }
.LBB1_12:
0x16: {  	p0 =	slt.u32 s14, $0x2  }
0x17: {  	p1 =	sgt.s32 @!p0 s16, $0x2  }
0x18: {  	s17 =	smov.u32 s16;
	s18 =	sshra.s32 @!p0 s16, $0x1F;
	p1 =	por !p1, p0  }
0x19: {  	s19 =	sshra.s32 @!p0 s15, $0x1F;
	s17 =	simm.s32 @p1 $0x2;
	p1 =	sgt.s32 @!p0 s15, $0xC2D0  }
0x1a: {  	s16 =	sand.u32 @!p0 s18, s16;
	s18 =	smov.u32 s15;
	p1 =	por !p1, p0  }
0x1b: {  	s15 =	sand.u32 @!p0 s19, s15;
	s18 =	simm.s32 @p1 $0xC2D0  }
0x1c: {  	s19 =	smov.u32 s13;
	s16 =	ssub.s32 @!p0 s17, s16;
	s15 =	ssub.s32 @!p0 s18, s15  }
0x1d: {  	s17 =	sadd.s32 @!p0 $0xFFFFFFFE, s16;
	s16 =	ssub.s32 @!p0 $0x3, s16;
	s15 =	sadd.s32 @!p0 $0xFFFF3D30, s15  }
0x1e: {  	p1 =	sgt.s32 @!p0 s17, $0x0;
	p2 =	sgt.s32 @!p0 s15, $0x7F;
	s15 =	sshll.u32 @!p0 s15, $0x7  }
0x1f: {  	p1 =	por !p1, p0;
	s15 =	ssub.s32 @!p0 $0x4000, s15;
	p2 =	por !p2, p0  }
0x20: {  	s17 =	sadd.s32 $0x1, s12;
	s16 =	simm.s32 @!p1 $0x0;
	s15 =	simm.s32 @!p2 $0x0  }
0x21: {  	p1 =	sgt.s32 s17, $0x2;
	s15 =	smul.u32 @!p0 s16, s15;
	s16 =	sadd.s32 $0x1000, s13  }
0x22: {  	s19 =	smov.u32 @p1 s16  }
0x23: {  	s17 =	simm.s32 @p1 $0x0;
	p1 =	sgt.s32 s19, $0xC34F  }
0x24: {  	s19 =	smov.u32 @p1 s3;
	p1 =	sne.s32 s14, s7  }
.Ltmp1:
0x25: {  	s9 =	sadd.s32 $0x4000, s9;
	s18 =	simm.s32 @!p0 $0x2;
	(pc) =	sbr.rel @!p1 .LBB1_13-.Ltmp1, $4  }
0x26: {  	s16 =	smov.u32 s10;
	s10 =	smov.u32 s12;
	s15 =	sand.u32 @!p0 $0x3FFFFF80, s15  }
0x27: {  	s12 =	smov.u32 s17;
	_ =	swait.ge @!p0 [sflag:s18], s15;
	s20 =	ssub.s32 @!p0 $0x0, s15  }
0x28: {  	s15 =	smov.u32 s11;
	s14 =	sadd.s32 $0x1, s14;
	[sflag:s18] =	ssyncset.done @!p0 $0x0  }
0x29: {  	s11 =	smov.u32 s13;
	s13 =	smov.u32 s19;
	[sflag:s18] =	ssyncadd.s32 @!p0 s20  }
.LBB1_1:
0x2a: {  	p0 =	sge.u32 s14, s6  }
0x2b: {  	p1 =	sgt.s32 @!p0 s13, $0xC2D0  }
0x2c: {  	s17 =	smov.u32 s13;
	s19 =	smov.u32 s12;
	p1 =	por !p1, p0  }
0x2d: {  	s18 =	sshra.s32 @!p0 s13, $0x1F;
	s17 =	simm.s32 @p1 $0xC2D0;
	p1 =	sgt.s32 @!p0 s12, $0x3  }
0x2e: {  	s20 =	sshra.s32 @!p0 s12, $0x1F;
	s18 =	sand.u32 @!p0 s18, s13;
	p1 =	por !p1, p0  }
0x2f: {  	s17 =	ssub.s32 @!p0 s17, s18;
	s18 =	sand.u32 @!p0 s20, s12;
	s19 =	simm.s32 @p1 $0x3  }
0x30: {  	s20 =	sshll.u32 @!p0 s12, $0x4;
	s17 =	sadd.s32 @!p0 $0xFFFF3D30, s17;
	s18 =	ssub.s32 @!p0 s19, s18  }
0x31: {  	p1 =	sgt.s32 @!p0 s17, $0x7F;
	s17 =	sshll.u32 @!p0 s17, $0x7;
	s19 =	sadd.s32 @!p0 $0xFFFFFFFD, s18  }
0x32: {  	s18 =	ssub.s32 @!p0 $0x4, s18;
	s17 =	ssub.s32 @!p0 $0x4000, s17;
	p2 =	sgt.s32 @!p0 s19, $0x0  }
0x33: {  	p1 =	por !p1, p0;
	s19 =	sxor.u32 @!p0 $0xFFFFFFFF, s14;
	p2 =	por !p2, p0  }
0x34: {  	s17 =	simm.s32 @!p1 $0x0;
	s19 =	sshll.u32 @!p0 s19, $0xE;
	s18 =	simm.s32 @!p2 $0x0  }
0x35: {  	s17 =	smul.u32 @!p0 s18, s17;
	s18 =	sand.u32 @!p0 $0x4000, s19;
	s19 =	sshll.u32 @!p0 s13, $0x6  }
0x36: {  	s21 =	simm.s32 @!p0 $0x200;
	s20 =	sand.u32 @!p0 $0x30, s20;
	s19 =	sadd.s32 @!p0 s2, s19  }
0x37: {  	s17 =	sand.u32 @!p0 $0x3FFFFF80, s17;
	s19 =	sadd.s32 @!p0 s20, s19;
	s20 =	simm.s32 @!p0 $0x80  }
0x38: {  	[tilespmem:s18], [sflag:$0x1] =	stream.strided.gather @!p0 [hbm4b:s19+s20], s17, s21, s20, $0x38;
	[tilespmem:$0x10000] =	vst v63  }
0x39: {  	p0 =	seq.s32 s14, $0x0  }
0x3a: {  	p1 =	sge.u32 @!p0 s14, s7  }
0x3b: {  	p0 =	por p0, p1  }
.Ltmp2:
0x3c: {  	_ = 	snop;
	(pc) =	sbr.rel @p0 .LBB1_12-.Ltmp2, $1  }
0x3d: {  	_ =	sdelay $0x3  }
0x3e: {  	p0 =	sgt.s32 s11, $0xC2D0;
	s17 =	smov.u32 s11;
	s18 =	sshra.s32 s11, $0x1F  }
0x3f: {  	s19 =	ssub.s32 $0x0, s10;
	s17 =	simm.s32 @!p0 $0xC2D0;
	s18 =	sand.u32 s18, s11  }
0x40: {  	s20 =	sshra.s32 s10, $0x1F;
	s21 =	smov.u32 s10;
	s18 =	ssub.s32 s17, s18  }
0x41: {  	p0 =	sgt.s32 s10, $0x3;
	s17 =	sand.u32 s19, s20;
	s18 =	sadd.s32 $0xFFFF3D30, s18  }
0x42: {  	s21 =	simm.s32 @!p0 $0x3;
	p0 =	sgt.s32 s18, $0x7F;
	s18 =	sshll.u32 s18, $0x7  }
0x43: {  	s20 =	sadd.s32 $0x80, s11;
	s19 =	sadd.s32 s17, s21;
	s18 =	ssub.s32 $0x4000, s18  }
0x44: {  	s21 =	sadd.s32 $0x1, s10;
	s18 =	simm.s32 @p0 $0x0;
	p0 =	slt.s32 s20, $0xC350  }
0x45: {  	s30 =	sadd.s32 $0xFFFFFFFD, s19;
	s20 =	simm.s32 @!p0 $0xC350;
	p0 =	slt.s32 s21, $0x3  }
0x46: {  	s19 =	ssub.s32 $0x4, s19;
	s20 =	ssub.s32 s20, s11;
	s21 =	simm.s32 @!p0 $0x3  }
0x47: {  	p1 =	sgt.s32 s30, $0x0;
	s21 =	ssub.s32 s21, s10;
	p0 =	slt.s32 s20, $0x1  }
0x48: {  	s19 =	simm.s32 @p1 $0x0;
	p1 =	slt.s32 @!p0 s21, $0x1  }
0x49: {  	s19 =	smul.u32 s19, s18;
	p0 =	por p0, p1  }
.Ltmp3:
0x4a: {  	_ = 	snop;
	(pc) =	sbr.rel @p0 .LBB1_11-.Ltmp3, $4  }
0x4b: {  	s19 =	sand.u32 $0x3FFFFF80, s19  }
0x4c: {  	_ =	swait.ge [sflag:s5], s19  }
0x4d: {  	s31 =	sshll.u32 s14, $0xE;
	s22 =	ssub.s32 $0x0, s19;
	[sflag:s5] =	ssyncset.done $0x0  }
0x4e: {  	s19 =	sand.u32 $0x4000, s31;
	[sflag:s5] =	ssyncadd.s32 s22  }
0x4f: {  	s22 =	sshll.u32 s9, $0x2  }
0x50: {  	s22 =	sand.u32 $0x10000, s22  }
0x51: {  	s22 =	sshrl.u32 s22, $0x2  }
0x52: {  	s24 =	simm.s32 $0x0;
	s25 =	simm.s32 $0x0;
	s22 =	sadd.s32 $0x8040, s22  }
.LBB1_4:
0x53: {  	s27 =	sshll.u32 s25, $0x7  }
0x54: {  	p1 =	sne.s32 s21, $0x1;
	s27 =	sadd.s32 s27, s19  }
.Ltmp4:
0x55: {  	v0 =	vmov s27;
	(pc) =	sbr.rel @!p1 .LBB1_5-.Ltmp4, $3  }
0x56: {  	_ =	sdelay $0x1  }
0x57: {  	s26 =	sand.u32 $0x3F80, s24;
	s28 =	sand.u32 $0x180, s23  }
0x58: {  	p0 =	por $0x0, $0x0;
	s26 =	sadd.s32 s26, s22;
	s27 =	sadd.s32 $0xFFFFFFFF, s21  }
0x59: {  	_ =	sdelay $0x3  }
0x5a: {  	v6 =	vld.idx.msk [tilespmem:v0+s28+$0x70 ss:$0x1], $0xffff  }
0x5b: {  	v7 =	vld.idx.msk [tilespmem:v0+s28+$0x0 ss:$0x1], $0xffff  }
0x5c: {  	v1 =	vld.idx.msk [tilespmem:v0+s28+$0x10 ss:$0x1], $0xffff;
	p1 =	sne.s32 s27, $0x1  }
.Ltmp5:
0x5d: {  	v2 =	vld.idx.msk [tilespmem:v0+s28+$0x20 ss:$0x1], $0xffff;
	(pc) =	sbr.rel @!p1 .LBB1_7-.Ltmp5, $4  }
0x5e: {  	v3 =	vld.idx.msk [tilespmem:v0+s28+$0x30 ss:$0x1], $0xffff  }
0x5f: {  	v4 =	vld.idx.msk [tilespmem:v0+s28+$0x40 ss:$0x1], $0xffff  }
0x60: {  	v5 =	vld.idx.msk [tilespmem:v0+s28+$0x50 ss:$0x1], $0xffff;
	s30 =	simm.s32 $0x80;
	s31 =	sadd.s32 $0xFFFFFFFF, s27;
	[tilespmem:s26+$0x30] =	vst v6  }
0x61: {  	p0 =	por $0x1, $0x1;
	s27 =	smov.u32 s26;
	s29 =	sand.u32 $0x180, s30;
	[tilespmem:s26+$0xFFFFFFC0] =	vst v7;
	v6 =	vld.idx.msk [tilespmem:v0+s28+$0x60 ss:$0x1], $0xffff  }
.LBB1_8:
0x62: {  	p1 =	sne.s32 s31, $0x1;
	v7 =	vld.idx.msk [tilespmem:v0+s29+$0x70 ss:$0x1], $0xffff;
	[tilespmem:s27+$0xFFFFFFD0] =	vst v1  }
0x63: {  	v8 =	vld.idx.msk [tilespmem:v0+s29+$0x0 ss:$0x1], $0xffff;
	[tilespmem:s27+$0xFFFFFFE0] =	vst v2  }
0x64: {  	v1 =	vld.idx.msk [tilespmem:v0+s29+$0x10 ss:$0x1], $0xffff;
	[tilespmem:s27+$0xFFFFFFF0] =	vst v3  }
.Ltmp6:
0x65: {  	v2 =	vld.idx.msk [tilespmem:v0+s29+$0x20 ss:$0x1], $0xffff;
	[tilespmem:s27+$0x0] =	vst v4;
	(pc) =	sbr.rel @p1 .LBB1_8-.Ltmp6, $4  }
0x66: {  	v3 =	vld.idx.msk [tilespmem:v0+s29+$0x30 ss:$0x1], $0xffff;
	[tilespmem:s27+$0x10] =	vst v5  }
0x67: {  	v4 =	vld.idx.msk [tilespmem:v0+s29+$0x40 ss:$0x1], $0xffff;
	[tilespmem:s27+$0x20] =	vst v6;
	s27 =	sadd.s32 $0x4000, s27  }
0x68: {  	s30 =	sadd.s32 $0x80, s30;
	v5 =	vld.idx.msk [tilespmem:v0+s29+$0x50 ss:$0x1], $0xffff;
	[tilespmem:s27+$0x30] =	vst v7  }
0x69: {  	s31 =	sadd.s32 $0xFFFFFFFF, s31;
	[tilespmem:s27+$0xFFFFFFC0] =	vst v8;
	v6 =	vld.idx.msk [tilespmem:v0+s29+$0x60 ss:$0x1], $0xffff;
	s29 =	sand.u32 $0x180, s30  }
0x6a: {  	s28 =	smov.u32 s29  }
.LBB1_10:
0x6b: {  	_ =	sdelay $0x2  }
0x6c: {  	[tilespmem:s27+$0xFFFFFFD0] =	vst @p0 v1  }
0x6d: {  	v56 =	vld.idx.msk [tilespmem:v0+s28+$0x70 ss:$0x1], $0xffff;
	[tilespmem:s27+$0xFFFFFFE0] =	vst @p0 v2  }
0x6e: {  	v57 =	vld.idx.msk [tilespmem:v0+s28+$0x0 ss:$0x1], $0xffff;
	[tilespmem:s27+$0xFFFFFFF0] =	vst @p0 v3  }
0x6f: {  	v58 =	vld.idx.msk [tilespmem:v0+s28+$0x10 ss:$0x1], $0xffff;
	[tilespmem:s27+$0x0] =	vst @p0 v4  }
0x70: {  	v59 =	vld.idx.msk [tilespmem:v0+s28+$0x20 ss:$0x1], $0xffff;
	s29 =	sadd.s32 @p0 $0x4000, s27;
	[tilespmem:s27+$0x10] =	vst @p0 v5  }
0x71: {  	v60 =	vld.idx.msk [tilespmem:v0+s28+$0x30 ss:$0x1], $0xffff;
	s26 =	smov.u32 @p0 s29;
	[tilespmem:s27+$0x20] =	vst @p0 v6  }
0x72: {  	v61 =	vld.idx.msk [tilespmem:v0+s28+$0x40 ss:$0x1], $0xffff;
	[tilespmem:s26+$0x30] =	vst v56  }
0x73: {  	v62 =	vld.idx.msk [tilespmem:v0+s28+$0x50 ss:$0x1], $0xffff;
	s25 =	sadd.s32 $0x1, s25;
	[tilespmem:s26+$0xFFFFFFC0] =	vst v57  }
0x74: {  	v63 =	vld.idx.msk [tilespmem:v0+s28+$0x60 ss:$0x1], $0xffff;
	p0 =	sne.s32 s25, s20;
	[tilespmem:s26+$0xFFFFFFD0] =	vst v58  }
.Ltmp7:
0x75: {  	[tilespmem:s26+$0xFFFFFFE0] =	vst v59;
	(pc) =	sbr.rel @p0 .LBB1_4-.Ltmp7, $4  }
.Ltmp8:
0x76: {  	[tilespmem:s26+$0xFFFFFFF0] =	vst v60;
	(pc) =	sbr.rel @!p0 .LBB1_11-.Ltmp8, $4  }
0x77: {  	[tilespmem:s26+$0x0] =	vst v61  }
0x78: {  	[tilespmem:s26+$0x10] =	vst v62  }
0x79: {  	s24 =	sadd.s32 $0x80, s24;
	[tilespmem:s26+$0x20] =	vst v63  }
0x7a: {  	_ = 	snop  }
.LBB1_5:
.Ltmp9:
0x7b: {  	(pc) =	sbr.rel .LBB1_10-.Ltmp9, $2  }
0x7c: {  	_ =	sdelay $0x2  }
0x7d: {  	s27 =	smov.u32 s26  }
.LBB1_7:
.Ltmp10:
0x7e: {  	(pc) =	sbr.rel .LBB1_10-.Ltmp10, $2  }
0x7f: {  	_ =	sdelay $0x2  }
0x80: {  	s28 =	smov.u32 s29;
	s27 =	smov.u32 s26  }
.LBB1_13:
0x81: {  	_ =	sfence.sel $0x180000  }
0x82: {  	s2 =	simm.s32 $0x1;
	[bflag:$0x0] =	sbarrier.arrive $0xFFFF  }
0x83: {  	s31 =	simm.s32 $0x2;
	[sflag:s2] =	ssyncpa.u1 $0x1  }
0x84: {  	[sflag:s31] =	ssyncpa.u1 $0x1  }
0x85: {  	p0 =	sne.s32 s0, $0x0;
	_ =	strace $0x90000047  }
0x86: {  	s0 =	sadd.s32 @!p0 $0x100000, s1;
	[bflag:$0x2] =	sbarrier.arrive $0xFFFF  }
0x87: {  	[sflag:s0] =	ssyncadd.tile.s32 @!p0 $0x1;
	_ =	shalt  }
.Lfunc_end1:
_tile_overlayer_lowered:
.L_overlay_start_2:
0x88: {  	(tag) =	ssettag $0x2  }
0x89: {  	s0 =	rddreg [dreg:$0x0];
	s2 =	stileid.u32  }
0x8a: {  	s1 =	rddreg [dreg:$0x1];
	p0 =	sne.s32 s2, $0x0  }
0x8b: {  	s3 =	rddreg [dreg:$0x2];
	[bflag:$0x3] =	sbarrier.arrive $0xFFFF;
	s2 =	simm.s32 @!p0 $0x1C01  }
0x8c: {  	[timem:s3], [sflag:s2] =	dma.local @!p0 [hbm:s0], s1  }
0x8d: {  	s0 =	simm.s32 @!p0 $0x1  }
0x8e: {  	_ =	swait.ge @!p0 [sflag:s0], s1  }
0x8f: {  	s1 =	ssub.s32 @!p0 $0x0, s1;
	[sflag:s0] =	ssyncset.done @!p0 $0x0  }
0x90: {  	[sflag:s0] =	ssyncadd.s32 @!p0 s1  }
0x91: {  	[bflag:$0x3] =	sbarrier.arrive $0xFFFF  }
0x92: {  	_ =	shalt  }

// kernel: sparse-core-data-format-call.cloned.1.call-start
scs
called_computation_lowered:
.L_overlay_start_0:
0x0: {  	s2 =	sld [smem:$0x3FD9]  }
0x1: {  	s3 =	sld [smem:$0x3FFE];
	_ =	sdelay $0x1  }
0x2: {  	s1 =	srdreg.scid  }
0x3: {  	s0 =	sand.u32 $0x1, s1  }
0x4: {  	s16 =	sshll.u32 s0, $0xA;
	s2 =	sadd.s32 s3, s2  }
0x5: {  	s2 =	sadd.s32 s2, s16  }
0x6: {  	[smem:$0x3FC4] =	sst s2  }
0x7: {  	_ = 	snop  }
0x8: {  	s2 =	sld [smem:$0x3FD0];
	_ =	sdelay $0x2  }
0x9: {  	s17 =	simm.s32 $0xB;
	s4 =	simm.s32 $0x10  }
0xa: {  	[smem:s4], [sflag:s17] =	dma.local [hbm:s2], $0x1  }
0xb: {  	_ =	swait.eq [sflag:s17], $0x1  }
0xc: {  	[sflag:s17] =	ssyncset.done $0x0  }
0xd: {  	[sflag:s17] =	ssyncadd.s32 $0xFFFFFFFF  }
0xe: {  	s18 =	sld [smem:$0x12];
	(tm) =	ssettm $0x1  }
0xf: {  	s19 =	sld [smem:$0x3FFB];
	_ =	sdelay $0x3  }
0x10: {  	_ =	strace s19  }
0x11: {  	s2 =	sld [smem:$0x3FFC];
	_ =	sdelay $0x3  }
0x12: {  	_ =	strace s2  }
0x13: {  	s2 =	sld [smem:$0x3FFD];
	_ =	sdelay $0x3  }
0x14: {  	_ =	strace s2  }
0x15: {  	_ =	strace $0x8FFFFFFF  }
0x16: {  	s20 =	sld [smem:$0x3FDB];
	_ =	sdelay $0x1  }
0x17: {  	s21 =	simm.s32 $_scs_section_size  }
0x18: {  	s5 =	simm.s32 $_size__tile_overlayer_lowered;
	s6 =	simm.s32 $_tile_overlayer_lowered  }
0x19: {  	s7 =	simm.s32 $0x1BFF;
	s22 =	sshll.u32 s6, $0x1;
	s4 =	sadd.s32 s21, s20  }
0x1a: {  	s23 =	simm.s32 $0x0;
	s5 =	sshll.u32 s5, $0x1;
	s6 =	sadd.s32 s22, s4  }
0x1b: {  	[timem:s23], [sflag:s7] =	dma.local [hbm:s6], s5  }
0x1c: {  	_ =	swait.ge [sflag:s7], s5  }
0x1d: {  	s5 =	ssub.s32 $0x0, s5;
	[sflag:s7] =	ssyncset.done $0x0  }
0x1e: {  	[sflag:s7] =	ssyncadd.s32 s5;
	_ =	sdelay $0x1  }
0x1f: {  	s24 =	simm.s32 $0x1B8B  }
0x20: {  	_ =	swait.ge [sflag:s24], $0x1  }
0x21: {  	[sflag:s24] =	ssyncset.done $0x0  }
0x22: {  	[sflag:s24] =	ssyncadd.s32 $0xFFFFFFFF  }
0x23: {  	s5 =	sld [smem:$0x0]  }
0x24: {  	s6 =	sand.u32 $0xFFFFFFFE, s1  }
0x25: {  	p0 =	sne.s32 s1, s6  }
0x26: {  	s6 =	sshll.u32 @p0 s6, $0xE  }
0x27: {  	s6 =	sadd.s32 @p0 $0x11B8D, s6;
	s7 =	sshll.u32 @p0 s5, $0x11  }
0x28: {  	s6 =	sor.u32 @p0 s7, s6  }
0x29: {  	[sflag:s6] =	ssyncadd.remote.s32 @p0 $0x1;
	_ =	sdelay $0x1  }
0x2a: {  	s6 =	simm.s32 @p0 $0x1B8D  }
0x2b: {  	_ =	swait.eq @p0 [sflag:s6], $0x1  }
0x2c: {  	[sflag:s6] =	ssyncadd.s32 @p0 $0xFFFFFFFF  }
0x2d: {  	s7 =	sshll.u32 @!p0 s1, $0xE  }
0x2e: {  	s7 =	sor.u32 @!p0 $0x4000, s7;
	s6 =	simm.s32 @!p0 $0x1B8D  }
0x2f: {  	s5 =	sshll.u32 @!p0 s5, $0x11;
	s7 =	sadd.s32 @!p0 $0x11B8D, s7;
	_ =	swait.eq @!p0 [sflag:s6], $0x1  }
0x30: {  	s5 =	sor.u32 @!p0 s5, s7;
	[sflag:s6] =	ssyncadd.s32 @!p0 $0xFFFFFFFF  }
0x31: {  	s26 =	simm.s32 $0x1B8E;
	s25 =	sld [smem:$0x3FFE];
	[sflag:s5] =	ssyncadd.remote.s32 @!p0 $0x1  }
0x32: {  	s27 =	simm.s32 $execute0_lowered;
	[smem:$0x3FD2] =	sst s26  }
0x33: {  	s6 =	sshll.u32 s27, $0x1;
	_ =	strace $0x8000004C;
	[dreg:$0x1] =	wrdreg $0xFFFFFFFF  }
0x34: {  	s28 =	simm.s32 $_size_execute0_lowered;
	s4 =	sadd.s32 s4, s6;
	[dreg:$0x0] =	wrdreg $0x0  }
0x35: {  	s6 =	sshll.u32 s28, $0x1;
	[dreg:$0x2] =	wrdreg s4  }
0x36: {  	[dreg:$0x3] =	wrdreg s6  }
0x37: {  	[dreg:$0x4] =	wrdreg $0xC0  }
0x38: {  	_ =	task [dreg:s23], $0x5FFFF  }
0x39: {  	[dreg:$0x1] =	wrdreg $0xFFFFFFFF  }
0x3a: {  	[dreg:$0x0] =	wrdreg $0x60  }
0x3b: {  	[dreg:$0x2] =	wrdreg s25  }
0x3c: {  	[dreg:$0x3] =	wrdreg s18  }
0x3d: {  	[dreg:$0x4] =	wrdreg $0xA  }
0x3e: {  	_ =	task.clear_ibuf [dreg:s23], $0x5FFFF;
	_ =	strace $0x9000004C  }
0x3f: {  	s29 =	simm.s32 $0xA;
	_ =	strace $0x8000004E  }
0x40: {  	_ =	swait.ge [sflag:s29], $0x1  }
0x41: {  	[sflag:s29] =	ssyncadd.s32 $0xFFFFFFFF  }
0x42: {  	_ =	strace $0x9000004E  }
0x43: {  	_ =	sfence  }
0x44: {  	s30 =	sld [smem:$0x0];
	_ =	sdelay $0x2  }
0x45: {  	s31 =	sshll.u32 s1, $0xD;
	s1 =	sshrl.u32 s1, $0x2  }
0x46: {  	s4 =	sand.u32 $0x4000, s31;
	s1 =	sadd.s32 s1, s30  }
0x47: {  	s0 =	sor.u32 s4, s0;
	s1 =	sshll.u32 s1, $0x11  }
0x48: {  	s0 =	sor.u32 s1, s0  }
0x49: {  	s0 =	sadd.s32 $0x8F2B, s0  }
0x4a: {  	[sflag:s0] =	ssyncadd.remote.s32 $0x1  }
0x4b: {  	_ =	sfence.sel $0xFFFF  }
0x4c: {  	[dreg:$0x0] =	wrdreg $0xFFFFFFFF;
	(pc) =	sbr.abs _section_cstart, $3  }
0x4d: {  	[dreg:$0x1] =	wrdreg $0xFFFFFFFF  }
0x4e: {  	_ =	task.clear_ibuf [dreg:s23], $0x2FFFF;
	_ =	strace $0x9FFFFFFF  }
0x4f: {  	(tm) =	ssettm $0x7FFFFFFF  }
tec
execute0_lowered:
.L_overlay_start_1:
0x0: {  	(tag) =	ssettag $0x1  }
0x1: {  	s0 =	stileid.u32  }
0x2: {  	s1 =	srdreg.scid;
	s7 =	rddreg [dreg:$0x0]  }
0x3: {  	s4 =	rddreg [dreg:$0x1];
	s31 =	simm.s32 $0x2;
	s10 =	simm.s32 $0x0  }
0x4: {  	s15 =	simm.s32 $0x0;
	s2 =	sshll.u32 s0, $0x3;
	s1 =	sshll.u32 s1, $0x7  }
0x5: {  	s16 =	simm.s32 $0x0;
	s17 =	simm.s32 $0x0;
	s1 =	sor.u32 s2, s1  }
0x6: {  	s12 =	simm.s32 $0x0;
	s2 =	sand.u32 $0x1, s0;
	s1 =	sand.u32 $0xF0, s1  }
0x7: {  	s14 =	simm.s32 $0x0;
	s5 =	ssub.s32 $0x2, s2;
	s3 =	ssub.s32 $0xC350, s1  }
0x8: {  	s7 =	sadd.s32 $0x191400, s7;
	s8 =	sshrl.u32 s5, $0x1;
	s6 =	sand.u32 $0xF0, s3  }
0x9: {  	s5 =	sand.u32 $0x1, s5;
	p0 =	sne.s32 s6, $0x0;
	s6 =	simm.s32 $0x1  }
.Ltmp0:
0xa: {  	s9 =	sshrl.u32 s3, $0x8;
	s6 =	simm.s32 @!p0 $0x0;
	(pc) =	sbr.rel .LBB1_1-.Ltmp0, $4  }
0xb: {  	s3 =	rddreg [dreg:$0x2];
	s8 =	sadd.s32 s5, s8;
	s6 =	sadd.s32 s6, s9  }
0xc: {  	_ =	strace $0x8000004D;
	s5 =	simm.s32 $0x1;
	s6 =	smul.u32 s8, s6  }
0xd: {  	s13 =	smov.u32 s2;
	s11 =	smov.u32 s1;
	[sflag:s5] =	ssyncpa.u1 $0x0  }
0xe: {  	[sflag:s31] =	ssyncpa.u1 $0x0;
	s9 =	simm.s32 $0x0;
	s8 =	sadd.s32 $0x1, s6  }
.LBB1_7:
0xf: {  	s18 =	sadd.s32 $0x100, s11  }
0x10: {  	s15 =	sadd.s32 $0x8, s12;
	s19 =	smov.u32 s12;
	p1 =	sgt.s32 s18, $0xC34F  }
0x11: {  	s19 =	smov.u32 @p1 s15  }
0x12: {  	s21 =	smov.u32 s13;
	s15 =	sadd.s32 $0x2, s13;
	p2 =	sgt.s32 s19, $0x7  }
0x13: {  	s21 =	smov.u32 @p2 s15  }
0x14: {  	s18 =	smov.u32 @p1 s1;
	p1 =	sgt.s32 s21, $0x1  }
0x15: {  	p0 =	slt.u32 s14, $0x2;
	s21 =	smov.u32 @p1 s2;
	p1 =	sne.s32 s14, s8  }
.Ltmp1:
0x16: {  	s20 =	simm.s32 @!p0 $0x2;
	(pc) =	sbr.rel @!p1 .LBB1_8-.Ltmp1, $4  }
0x17: {  	s16 =	smov.u32 s12;
	s17 =	smov.u32 s13;
	_ =	swait.ge @!p0 [sflag:s20], $0x4000  }
0x18: {  	s10 =	sadd.s32 $0x4000, s10;
	[sflag:s20] =	ssyncset.done @!p0 $0x0;
	s19 =	simm.s32 @p2 $0x0  }
0x19: {  	s15 =	smov.u32 s11;
	[sflag:s20] =	ssyncadd.s32 @!p0 $0xFFFFC000;
	s11 =	smov.u32 s18  }
0x1a: {  	s12 =	smov.u32 s19;
	s14 =	sadd.s32 $0x1, s14;
	s13 =	smov.u32 s21  }
.LBB1_1:
0x1b: {  	p0 =	sge.u32 s14, s6  }
0x1c: {  	s18 =	sand.u32 @!p0 $0x1FFFFFF, s11  }
0x1d: {  	s19 =	smulhi.u32 @!p0 $0x14F8B59, s18  }
0x1e: {  	s20 =	smul.u32 @!p0 $0x61A800, s13  }
0x1f: {  	s22 =	smul.u32 @!p0 $0xC3500, s12;
	s19 =	sshrl.u32 @!p0 s19, $0x8  }
0x20: {  	s19 =	smul.u32 @!p0 $0xC350, s19  }
0x21: {  	s31 =	sadd.s32 $0xFFFFFFFF, s14;
	s20 =	sadd.s32 @!p0 s7, s20  }
0x22: {  	s21 =	sxor.u32 @!p0 $0xFFFFFFFF, s14;
	s20 =	sadd.s32 @!p0 s22, s20;
	s18 =	ssub.s32 @!p0 s18, s19  }
0x23: {  	s19 =	sshll.u32 @!p0 s21, $0xE;
	s21 =	simm.s32 @!p0 $0x61A800;
	s18 =	sshll.u32 @!p0 s18, $0x4  }
0x24: {  	s19 =	sand.u32 @!p0 $0x4000, s19;
	s18 =	sadd.s32 @!p0 s18, s20;
	s20 =	simm.s32 @!p0 $0x800  }
0x25: {  	[tilespmem:s19], [sflag:$0x1] =	stream.strided.gather @!p0 [hbm4b:s18+s20], $0x4000, s21, s20, $0x38;
	[tilespmem:$0x10000] =	vst v63  }
0x26: {  	p0 =	sge.u32 s31, s6  }
.Ltmp2:
0x27: {  	_ = 	snop;
	(pc) =	sbr.rel @p0 .LBB1_7-.Ltmp2, $1  }
0x28: {  	_ =	sdelay $0x3  }
0x29: {  	s18 =	sand.u32 $0x4000, s10  }
0x2a: {  	_ =	swait.ge [sflag:s5], $0x4000;
	s21 =	sshll.u32 s14, $0xE;
	s19 =	sor.u32 $0x8040, s18  }
0x2b: {  	s20 =	sor.u32 $0x40, s18;
	[sflag:s5] =	ssyncset.done $0x0;
	s31 =	sand.u32 $0x4000, s21  }
0x2c: {  	s21 =	simm.s32 $0x0;
	[sflag:s5] =	ssyncadd.s32 $0xFFFFC000;
	s18 =	sor.u32 $0x8000, s31  }
.LBB1_3:
0x2d: {  	v0 =	vmov s20;
	_ =	sdelay $0x3  }
0x2e: {  	s23 =	simm.s32 $0x0  }
0x2f: {  	v6 =	vld.idx.msk [tilespmem:v0+s23+$0x30 ss:$0x1], $0xffff  }
0x30: {  	v7 =	vld.idx.msk [tilespmem:v0+s23+$0xFFFFFFC0 ss:$0x1], $0xffff  }
0x31: {  	v5 =	vld.idx.msk [tilespmem:v0+s23+$0xFFFFFFD0 ss:$0x1], $0xffff  }
0x32: {  	v4 =	vld.idx.msk [tilespmem:v0+s23+$0xFFFFFFE0 ss:$0x1], $0xffff  }
0x33: {  	v3 =	vld.idx.msk [tilespmem:v0+s23+$0xFFFFFFF0 ss:$0x1], $0xffff  }
0x34: {  	v1 =	vld.idx.msk [tilespmem:v0+s23+$0x0 ss:$0x1], $0xffff  }
0x35: {  	v2 =	vld.idx.msk [tilespmem:v0+s23+$0x10 ss:$0x1], $0xffff;
	[tilespmem:s19+$0x30] =	vst v6  }
0x36: {  	s22 =	simm.s32 $0x80;
	s24 =	simm.s32 $0x400;
	[tilespmem:s19+$0xFFFFFFC0] =	vst v7;
	v6 =	vld.idx.msk [tilespmem:v0+s23+$0x20 ss:$0x1], $0xffff;
	s23 =	smov.u32 s19  }
.LBB1_4:
0x37: {  	p0 =	sne.s32 s24, $0x1E00;
	v7 =	vld.idx.msk [tilespmem:v0+s22+$0x30 ss:$0x1], $0xffff;
	[tilespmem:s23+$0xFFFFFFD0] =	vst v5  }
0x38: {  	v8 =	vld.idx.msk [tilespmem:v0+s22+$0xFFFFFFC0 ss:$0x1], $0xffff;
	[tilespmem:s23+$0xFFFFFFE0] =	vst v4  }
0x39: {  	v5 =	vld.idx.msk [tilespmem:v0+s22+$0xFFFFFFD0 ss:$0x1], $0xffff;
	[tilespmem:s23+$0xFFFFFFF0] =	vst v3  }
.Ltmp3:
0x3a: {  	v4 =	vld.idx.msk [tilespmem:v0+s22+$0xFFFFFFE0 ss:$0x1], $0xffff;
	[tilespmem:s23+$0x0] =	vst v1;
	(pc) =	sbr.rel @p0 .LBB1_4-.Ltmp3, $4  }
0x3b: {  	v3 =	vld.idx.msk [tilespmem:v0+s22+$0xFFFFFFF0 ss:$0x1], $0xffff;
	[tilespmem:s23+$0x10] =	vst v2  }
0x3c: {  	v1 =	vld.idx.msk [tilespmem:v0+s22+$0x0 ss:$0x1], $0xffff;
	[tilespmem:s23+$0x20] =	vst v6;
	s23 =	sadd.s32 $0x400, s23  }
0x3d: {  	v2 =	vld.idx.msk [tilespmem:v0+s22+$0x10 ss:$0x1], $0xffff;
	[tilespmem:s23+$0x30] =	vst v7  }
0x3e: {  	[tilespmem:s23+$0xFFFFFFC0] =	vst v8;
	v6 =	vld.idx.msk [tilespmem:v0+s22+$0x20 ss:$0x1], $0xffff;
	s22 =	sshra.s32 s24, $0x2;
	s24 =	sadd.s32 $0x200, s24  }
0x3f: {  	_ =	sdelay $0x2  }
0x40: {  	[tilespmem:s23+$0xFFFFFFD0] =	vst v5  }
0x41: {  	v56 =	vld.idx.msk [tilespmem:v0+s22+$0x30 ss:$0x1], $0xffff;
	[tilespmem:s23+$0xFFFFFFE0] =	vst v4  }
0x42: {  	v57 =	vld.idx.msk [tilespmem:v0+s22+$0xFFFFFFC0 ss:$0x1], $0xffff;
	[tilespmem:s23+$0xFFFFFFF0] =	vst v3  }
0x43: {  	v58 =	vld.idx.msk [tilespmem:v0+s22+$0xFFFFFFD0 ss:$0x1], $0xffff;
	[tilespmem:s23+$0x0] =	vst v1  }
0x44: {  	v59 =	vld.idx.msk [tilespmem:v0+s22+$0xFFFFFFE0 ss:$0x1], $0xffff;
	[tilespmem:s23+$0x10] =	vst v2  }
0x45: {  	v60 =	vld.idx.msk [tilespmem:v0+s22+$0xFFFFFFF0 ss:$0x1], $0xffff;
	s31 =	sadd.s32 $0x400, s23;
	[tilespmem:s23+$0x20] =	vst v6  }
0x46: {  	v61 =	vld.idx.msk [tilespmem:v0+s22+$0x0 ss:$0x1], $0xffff;
	[tilespmem:s31+$0x30] =	vst v56  }
0x47: {  	v62 =	vld.idx.msk [tilespmem:v0+s22+$0x10 ss:$0x1], $0xffff;
	s21 =	sadd.s32 $0x1, s21;
	[tilespmem:s31+$0xFFFFFFC0] =	vst v57  }
0x48: {  	v63 =	vld.idx.msk [tilespmem:v0+s22+$0x20 ss:$0x1], $0xffff;
	p0 =	sne.s32 s21, $0x8;
	[tilespmem:s31+$0xFFFFFFD0] =	vst v58  }
.Ltmp4:
0x49: {  	[tilespmem:s31+$0xFFFFFFE0] =	vst v59;
	(pc) =	sbr.rel @p0 .LBB1_3-.Ltmp4, $4  }
0x4a: {  	[tilespmem:s31+$0xFFFFFFF0] =	vst v60  }
0x4b: {  	[tilespmem:s31+$0x0] =	vst v61  }
0x4c: {  	[tilespmem:s31+$0x10] =	vst v62  }
0x4d: {  	s19 =	sadd.s32 $0x80, s19;
	s20 =	sadd.s32 $0x800, s20;
	[tilespmem:s31+$0x20] =	vst v63  }
0x4e: {  	s17 =	smul.u32 $0x61A800, s17  }
.Ltmp5:
0x4f: {  	_ = 	snop;
	(pc) =	sbr.rel .LBB1_7-.Ltmp5, $4  }
0x50: {  	s15 =	sshll.u32 s15, $0x7;
	s16 =	sshll.u32 s16, $0x4;
	s17 =	sadd.s32 s4, s17  }
0x51: {  	s16 =	sand.u32 $0x70, s16;
	s15 =	sadd.s32 s15, s17  }
0x52: {  	s15 =	sadd.s32 s16, s15  }
0x53: {  	[hbm4b:s15+s9] =	stream.linear.scatter [tilespmem:s18], [sflag:$0x2], $0x4000, $0x38;
	[tilespmem:$0x10000] =	vst v63  }
.LBB1_8:
0x54: {  	_ =	sfence.sel $0x180000  }
0x55: {  	s1 =	simm.s32 $0x1;
	[bflag:$0x0] =	sbarrier.arrive $0xFFFF  }
0x56: {  	s31 =	simm.s32 $0x2;
	[sflag:s1] =	ssyncpa.u1 $0x1  }
0x57: {  	[sflag:s31] =	ssyncpa.u1 $0x1  }
0x58: {  	p0 =	sne.s32 s0, $0x0;
	_ =	strace $0x9000004D  }
0x59: {  	s0 =	sadd.s32 @!p0 $0x100000, s3;
	[bflag:$0x2] =	sbarrier.arrive $0xFFFF  }
0x5a: {  	[sflag:s0] =	ssyncadd.tile.s32 @!p0 $0x1;
	_ =	shalt  }
.Lfunc_end1:
_tile_overlayer_lowered:
.L_overlay_start_2:
0x5b: {  	(tag) =	ssettag $0x2  }
0x5c: {  	s0 =	rddreg [dreg:$0x0];
	s2 =	stileid.u32  }
0x5d: {  	s1 =	rddreg [dreg:$0x1];
	p0 =	sne.s32 s2, $0x0  }
0x5e: {  	s3 =	rddreg [dreg:$0x2];
	[bflag:$0x3] =	sbarrier.arrive $0xFFFF;
	s2 =	simm.s32 @!p0 $0x1C01  }
0x5f: {  	[timem:s3], [sflag:s2] =	dma.local @!p0 [hbm:s0], s1  }
0x60: {  	s0 =	simm.s32 @!p0 $0x1  }
0x61: {  	_ =	swait.ge @!p0 [sflag:s0], s1  }
0x62: {  	s1 =	ssub.s32 @!p0 $0x0, s1;
	[sflag:s0] =	ssyncset.done @!p0 $0x0  }
0x63: {  	[sflag:s0] =	ssyncadd.s32 @!p0 s1  }
0x64: {  	[bflag:$0x3] =	sbarrier.arrive $0xFFFF  }
0x65: {  	_ =	shalt  }

</sc_bundles>
